<compile_context>
chip_gen: v7x
topology: tpu7x:2x2x1
jax: 0.10.2.dev20260603
libtpu: 0.0.44.dev20260713+nightly
codegen_flags: <defaults>
</compile_context>

<pallas_src>
import functools

import jax
import jax.numpy as jnp
from jax import lax
from jax.experimental import pallas as pl
from jax.experimental.pallas import tpu as pltpu
from jax.experimental.pallas import tpu_sc as plsc

N_DET = 16
N_SO = 512
N_E = 32
BATCH = 4096
LANES = 128

_info = plsc.get_sparse_core_info()
NC, NS, L = _info.num_cores, _info.num_subcores, _info.num_lanes
NW = NC * NS

BH = BATCH // 2
NBT = BH // LANES
JT = 8
N_JT = N_E // JT
N_STEPS = N_E * N_JT


def _spo_body(occ_hbm, tab_hbm, out_hbm,
              occ_v, tab_v, buf_a, buf_b, wsem_a, wsem_b):
    wid = lax.axis_index("s") * NC + lax.axis_index("c")
    d = wid // 2
    h = wid % 2
    b0 = h * BH

    pltpu.sync_copy(tab_hbm.at[d], tab_v)
    pltpu.sync_copy(occ_hbm.at[:, pl.ds(b0, BH)], occ_v)

    def produce(e, jt, buf):
        jbase = jt * JT

        @plsc.parallel_loop(0, BH // L, unroll=4)
        def bg_body(g):
            o = occ_v[e, pl.ds(g * L, L)]
            bt = g // 8
            lo = (g % 8) * L
            for j in range(JT):
                idx = o + (jbase + j) * N_SO
                buf[bt, j, pl.ds(lo, L)] = plsc.load_gather(tab_v, [idx])

    def fire_wb(e, jt, buf, sem):
        pltpu.async_copy(buf, out_hbm.at[d, e, jt, pl.ds(h * NBT, NBT)], sem)

    def drain_wb(buf, sem):
        pltpu.make_async_copy(buf, out_hbm.at[d, 0, 0, pl.ds(0, NBT)],
                              sem).wait()

    def pair(p, carry):
        ta = 2 * p
        tb = ta + 1
        ea, jta = ta // N_JT, ta % N_JT
        eb, jtb = tb // N_JT, tb % N_JT

        @pl.when(p > 0)
        def _():
            drain_wb(buf_a, wsem_a)
        produce(ea, jta, buf_a)
        fire_wb(ea, jta, buf_a, wsem_a)

        @pl.when(p > 0)
        def _():
            drain_wb(buf_b, wsem_b)
        produce(eb, jtb, buf_b)
        fire_wb(eb, jtb, buf_b, wsem_b)
        return carry

    lax.fori_loop(0, N_STEPS // 2, pair, 0)
    drain_wb(buf_a, wsem_a)
    drain_wb(buf_b, wsem_b)


@functools.partial(jax.jit, static_argnames=())
def kernel(occ_so, phi_ref):
    occ_t = occ_so.astype(jnp.int32).T
    tab = phi_ref.transpose(0, 2, 1).reshape(N_DET, N_E * N_SO)

    mesh = plsc.VectorSubcoreMesh(core_axis_name="c", subcore_axis_name="s")
    out6 = pl.kernel(
        _spo_body,
        mesh=mesh,
        compiler_params=pltpu.CompilerParams(needs_layout_passes=False),
        out_type=jax.ShapeDtypeStruct(
            (N_DET, N_E, N_JT, BATCH // LANES, JT, LANES), jnp.float32),
        scratch_types=[
            pltpu.VMEM((N_E, BH), jnp.int32),
            pltpu.VMEM((N_SO * N_E,), jnp.float32),
            pltpu.VMEM((NBT, JT, LANES), jnp.float32),
            pltpu.VMEM((NBT, JT, LANES), jnp.float32),
            pltpu.SemaphoreType.DMA,
            pltpu.SemaphoreType.DMA,
        ],
    )(occ_t, tab)
    out = out6.transpose(3, 5, 0, 1, 2, 4).reshape(BATCH, N_DET, N_E, N_E)
    return out

# --- scband reference (transcript-rebuilt; emitter-appended) ---
"""Pipeline reference for scband-reference-spo-54984171323903 (READ-ONLY COPY).

The authoritative reference and input builder live on the scoring server;
editing this copy changes nothing except your own understanding.
"""

import jax, jax.numpy as jnp
import numpy as np

N_DET = 16
N_SO = 512
N_E = 32
BATCH = 4096
INIT_SIGMA = 0.001


def _make_phi_ref(key, n_det, n_so, n_e, sigma):
    # GHF 'generalized' one-hot base: first n_e spin-orbitals occupied -> identity block
    eye = jnp.zeros((n_so, n_e), dtype=jnp.float32).at[jnp.arange(n_e), jnp.arange(n_e)].set(1.0)
    base = jnp.broadcast_to(eye, (n_det, n_so, n_e))
    noise = jax.random.normal(key, (n_det, n_so, n_e), dtype=jnp.float32)
    return (base + sigma * noise).astype(jnp.float32)


def setup_inputs(seed: int = 0) -> dict:
    key = jax.random.key(seed)
    k1, k2 = jax.random.split(key, 2)
    occ_so = jnp.sort(jax.random.randint(k1, (BATCH, N_E), 0, N_SO, dtype=jnp.int64), axis=-1)
    phi_ref = _make_phi_ref(k2, N_DET, N_SO, N_E, INIT_SIGMA)
    return {"occ_so": occ_so, "phi_ref": phi_ref}


def reference(occ_so, phi_ref):
    # Faithful translation of ReferenceSPO.__call__ with n_det > 1
    occ_so = occ_so.astype(jnp.int32)
    # phi_ref: (n_det, n_so, n_e); gather occupied rows along the n_so axis
    phi_occ = jnp.take(phi_ref, occ_so, axis=1)  # (n_det, batch, n_e, n_e)
    ndim = phi_occ.ndim
    perm = tuple(range(1, ndim - 2)) + (0, ndim - 2, ndim - 1)
    return jnp.transpose(phi_occ, perm)  # (batch, n_det, n_e, n_e)

if __name__ == "__main__":
    import jax
    _d = setup_inputs()
    print(jax.jit(kernel)(*tuple(_d.values())))

</pallas_src>

<mosaic_0001>
#map = affine_map<(d0, d1) -> (0, 0)>
#map1 = affine_map<(d0, d1) -> (0, 0, 0, 0, 0, 0)>
module attributes {stable_mosaic.version = 14 : i64} {
  func.func @_spo_body(%arg0: i32, %arg1: i32, %arg2: memref<32x4096xi32, #tpu.memory_space<hbm>>, %arg3: memref<16x16384xf32, #tpu.memory_space<hbm>>, %arg4: memref<16x32x4x32x8x128xf32, #tpu.memory_space<hbm>>, %arg5: memref<32x2048xi32, #tpu.memory_space<vmem>>, %arg6: memref<16384xf32, #tpu.memory_space<vmem>>, %arg7: memref<16x8x128xf32, #tpu.memory_space<vmem>>, %arg8: memref<16x8x128xf32, #tpu.memory_space<vmem>>, %arg9: memref<!tpu.dma_semaphore, #tpu.memory_space<semaphore_mem>>, %arg10: memref<!tpu.dma_semaphore, #tpu.memory_space<semaphore_mem>>) attributes {dimension_semantics = [#tpu.dimension_semantics<core_parallel>, #tpu.dimension_semantics<subcore_parallel>], iteration_bounds = array<i64: 2, 16>, scalar_prefetch = 0 : i64, scratch_operands = 6 : i64, tpu.core_type = #tpu.core_type<sc_vector_subcore>, window_params = [{transform_indices = #map}, {transform_indices = #map}, {transform_indices = #map1}]} {
    %mul3A = arith.constant 2 : i32
    %mul3A_0 = arith.muli %arg1, %mul3A : i32
    %add3A = arith.addi %mul3A_0, %arg0 : i32
    %jit3A = arith.constant 2 : i32
    %div3A = arith.divsi %add3A, %jit3A : i32
    %sign3A = arith.constant 0 : i32
    %sign3A_1 = arith.cmpi sgt, %add3A, %sign3A : i32
    %sign3A_2 = arith.extui %sign3A_1 : i1 to i32
    %sign3A_3 = arith.constant 0 : i32
    %sign3A_4 = arith.cmpi slt, %add3A, %sign3A_3 : i32
    %sign3A_5 = arith.extui %sign3A_4 : i1 to i32
    %sign3A_6 = arith.subi %sign3A_2, %sign3A_5 : i32
    %sign3A_7 = arith.constant 0 : i32
    %sign3A_8 = arith.cmpi sgt, %jit3A, %sign3A_7 : i32
    %sign3A_9 = arith.extui %sign3A_8 : i1 to i32
    %sign3A_10 = arith.constant 0 : i32
    %sign3A_11 = arith.cmpi slt, %jit3A, %sign3A_10 : i32
    %sign3A_12 = arith.extui %sign3A_11 : i1 to i32
    %sign3A_13 = arith.subi %sign3A_9, %sign3A_12 : i32
    %ne3A = arith.cmpi ne, %sign3A_6, %sign3A_13 : i32
    %rem3A = arith.remsi %add3A, %jit3A : i32
    %ne3A_14 = arith.constant 0 : i32
    %ne3A_15 = arith.cmpi ne, %rem3A, %ne3A_14 : i32
    %and3A = arith.andi %ne3A, %ne3A_15 : i1
    %sub3A = arith.constant 1 : i32
    %sub3A_16 = arith.subi %div3A, %sub3A : i32
    %select_n3A = arith.select %and3A, %sub3A_16, %div3A : i32
    %jit3A_17 = arith.constant 2 : i32
    %eq3A = arith.constant 0 : i32
    %eq3A_18 = arith.cmpi eq, %jit3A_17, %eq3A : i32
    %jit3A_19 = arith.constant 1 : i32
    %select_n3A_20 = arith.select %eq3A_18, %jit3A_19, %jit3A_17 : i32
    %rem3A_21 = arith.remsi %add3A, %select_n3A_20 : i32
    %ne3A_22 = arith.constant 0 : i32
    %ne3A_23 = arith.cmpi ne, %rem3A_21, %ne3A_22 : i32
    %lt3A = arith.constant 0 : i32
    %lt3A_24 = arith.cmpi slt, %rem3A_21, %lt3A : i32
    %lt3A_25 = arith.constant 0 : i32
    %lt3A_26 = arith.cmpi slt, %select_n3A_20, %lt3A_25 : i32
    %ne3A_27 = arith.xori %lt3A_24, %lt3A_26 : i1
    %and3A_28 = arith.andi %ne3A_27, %ne3A_23 : i1
    %add3A_29 = arith.addi %rem3A_21, %select_n3A_20 : i32
    %select_n3A_30 = arith.select %and3A_28, %add3A_29, %rem3A_21 : i32
    %mul3A_31 = arith.constant 2048 : i32
    %mul3A_32 = arith.muli %select_n3A_30, %mul3A_31 : i32
    "tpu.region"() ({
      %run_scoped3A = tpu.sem_alloc : memref<!tpu.dma_semaphore, #tpu.memory_space<semaphore_mem>>
      %dma_start3A = arith.constant 0 : i32
      %dma_start3A_61 = tpu.memref_slice %arg3[%select_n3A, %dma_start3A] : memref<16x16384xf32, #tpu.memory_space<hbm>> -> memref<1x16384xf32, #tpu.memory_space<hbm>>
      %dma_start3A_62 = tpu.memref_squeeze %dma_start3A_61 : memref<1x16384xf32, #tpu.memory_space<hbm>> -> memref<16384xf32, #tpu.memory_space<hbm>>
      %dma_start3A_63 = arith.constant 0 : i32
      %dma_start3A_64 = tpu.memref_slice %arg3[%select_n3A, %dma_start3A_63] : memref<16x16384xf32, #tpu.memory_space<hbm>> -> memref<1x16384xf32, #tpu.memory_space<hbm>>
      %dma_start3A_65 = tpu.memref_squeeze %dma_start3A_64 : memref<1x16384xf32, #tpu.memory_space<hbm>> -> memref<16384xf32, #tpu.memory_space<hbm>>
      tpu.enqueue_dma source(%dma_start3A_65 : memref<16384xf32, #tpu.memory_space<hbm>>) target(%arg6 : memref<16384xf32, #tpu.memory_space<vmem>>) target_semaphore(%run_scoped3A : memref<!tpu.dma_semaphore, #tpu.memory_space<semaphore_mem>>)
      %dma_wait3A_66 = arith.constant 0 : i32
      %dma_wait3A_67 = tpu.memref_slice %arg3[%select_n3A, %dma_wait3A_66] : memref<16x16384xf32, #tpu.memory_space<hbm>> -> memref<1x16384xf32, #tpu.memory_space<hbm>>
      %dma_wait3A_68 = tpu.memref_squeeze %dma_wait3A_67 : memref<1x16384xf32, #tpu.memory_space<hbm>> -> memref<16384xf32, #tpu.memory_space<hbm>>
      %dma_wait3A_69 = arith.constant 0 : i32
      %dma_wait3A_70 = tpu.memref_slice %arg3[%select_n3A, %dma_wait3A_69] : memref<16x16384xf32, #tpu.memory_space<hbm>> -> memref<1x16384xf32, #tpu.memory_space<hbm>>
      %dma_wait3A_71 = tpu.memref_squeeze %dma_wait3A_70 : memref<1x16384xf32, #tpu.memory_space<hbm>> -> memref<16384xf32, #tpu.memory_space<hbm>>
      tpu.wait_dma2 semaphore(%run_scoped3A : memref<!tpu.dma_semaphore, #tpu.memory_space<semaphore_mem>>) src(%dma_wait3A_71 : memref<16384xf32, #tpu.memory_space<hbm>>) dst(%arg6 : memref<16384xf32, #tpu.memory_space<vmem>>)
      tpu.yield
    }) : () -> ()
    "tpu.region"() ({
      %run_scoped3A = tpu.sem_alloc : memref<!tpu.dma_semaphore, #tpu.memory_space<semaphore_mem>>
      %dma_start3A = arith.constant 0 : i32
      %dma_start3A_61 = tpu.memref_slice %arg2[%dma_start3A, %mul3A_32] : memref<32x4096xi32, #tpu.memory_space<hbm>> -> memref<32x2048xi32, #tpu.memory_space<hbm>>
      %dma_start3A_62 = arith.constant 0 : i32
      %dma_start3A_63 = tpu.memref_slice %arg2[%dma_start3A_62, %mul3A_32] : memref<32x4096xi32, #tpu.memory_space<hbm>> -> memref<32x2048xi32, #tpu.memory_space<hbm>>
      tpu.enqueue_dma source(%dma_start3A_63 : memref<32x2048xi32, #tpu.memory_space<hbm>>) target(%arg5 : memref<32x2048xi32, #tpu.memory_space<vmem>>) target_semaphore(%run_scoped3A : memref<!tpu.dma_semaphore, #tpu.memory_space<semaphore_mem>>)
      %dma_wait3A_64 = arith.constant 0 : i32
      %dma_wait3A_65 = tpu.memref_slice %arg2[%dma_wait3A_64, %mul3A_32] : memref<32x4096xi32, #tpu.memory_space<hbm>> -> memref<32x2048xi32, #tpu.memory_space<hbm>>
      %dma_wait3A_66 = arith.constant 0 : i32
      %dma_wait3A_67 = tpu.memref_slice %arg2[%dma_wait3A_66, %mul3A_32] : memref<32x4096xi32, #tpu.memory_space<hbm>> -> memref<32x2048xi32, #tpu.memory_space<hbm>>
      tpu.wait_dma2 semaphore(%run_scoped3A : memref<!tpu.dma_semaphore, #tpu.memory_space<semaphore_mem>>) src(%dma_wait3A_67 : memref<32x2048xi32, #tpu.memory_space<hbm>>) dst(%arg5 : memref<32x2048xi32, #tpu.memory_space<vmem>>)
      tpu.yield
    }) : () -> ()
    %scan3A = arith.constant 0 : i32
    %scan3A_33 = arith.constant 0 : i32
    %scan3A_34 = arith.constant 64 : i32
    %scan3A_35 = arith.addi %scan3A_33, %scan3A_34 : i32
    %scan3A_36 = arith.constant 1 : i32
    scf.for %scan3A_61 = %scan3A_33 to %scan3A_35 step %scan3A_36  : i32 {
      %mul3A_62 = arith.constant 2 : i32
      %mul3A_63 = arith.muli %mul3A_62, %scan3A_61 : i32
      %add3A_64 = arith.constant 1 : i32
      %add3A_65 = arith.addi %mul3A_63, %add3A_64 : i32
      %jit3A_66 = arith.constant 4 : i32
      %div3A_67 = arith.divsi %mul3A_63, %jit3A_66 : i32
      %sign3A_68 = arith.constant 0 : i32
      %sign3A_69 = arith.cmpi sgt, %mul3A_63, %sign3A_68 : i32
      %sign3A_70 = arith.extui %sign3A_69 : i1 to i32
      %sign3A_71 = arith.constant 0 : i32
      %sign3A_72 = arith.cmpi slt, %mul3A_63, %sign3A_71 : i32
      %sign3A_73 = arith.extui %sign3A_72 : i1 to i32
      %sign3A_74 = arith.subi %sign3A_70, %sign3A_73 : i32
      %sign3A_75 = arith.constant 0 : i32
      %sign3A_76 = arith.cmpi sgt, %jit3A_66, %sign3A_75 : i32
      %sign3A_77 = arith.extui %sign3A_76 : i1 to i32
      %sign3A_78 = arith.constant 0 : i32
      %sign3A_79 = arith.cmpi slt, %jit3A_66, %sign3A_78 : i32
      %sign3A_80 = arith.extui %sign3A_79 : i1 to i32
      %sign3A_81 = arith.subi %sign3A_77, %sign3A_80 : i32
      %ne3A_82 = arith.cmpi ne, %sign3A_74, %sign3A_81 : i32
      %rem3A_83 = arith.remsi %mul3A_63, %jit3A_66 : i32
      %ne3A_84 = arith.constant 0 : i32
      %ne3A_85 = arith.cmpi ne, %rem3A_83, %ne3A_84 : i32
      %and3A_86 = arith.andi %ne3A_82, %ne3A_85 : i1
      %sub3A_87 = arith.constant 1 : i32
      %sub3A_88 = arith.subi %div3A_67, %sub3A_87 : i32
      %select_n3A_89 = arith.select %and3A_86, %sub3A_88, %div3A_67 : i32
      %jit3A_90 = arith.constant 4 : i32
      %eq3A_91 = arith.constant 0 : i32
      %eq3A_92 = arith.cmpi eq, %jit3A_90, %eq3A_91 : i32
      %jit3A_93 = arith.constant 1 : i32
      %select_n3A_94 = arith.select %eq3A_92, %jit3A_93, %jit3A_90 : i32
      %rem3A_95 = arith.remsi %mul3A_63, %select_n3A_94 : i32
      %ne3A_96 = arith.constant 0 : i32
      %ne3A_97 = arith.cmpi ne, %rem3A_95, %ne3A_96 : i32
      %lt3A_98 = arith.constant 0 : i32
      %lt3A_99 = arith.cmpi slt, %rem3A_95, %lt3A_98 : i32
      %lt3A_100 = arith.constant 0 : i32
      %lt3A_101 = arith.cmpi slt, %select_n3A_94, %lt3A_100 : i32
      %ne3A_102 = arith.xori %lt3A_99, %lt3A_101 : i1
      %and3A_103 = arith.andi %ne3A_102, %ne3A_97 : i1
      %add3A_104 = arith.addi %rem3A_95, %select_n3A_94 : i32
      %select_n3A_105 = arith.select %and3A_103, %add3A_104, %rem3A_95 : i32
      %jit3A_106 = arith.constant 4 : i32
      %div3A_107 = arith.divsi %add3A_65, %jit3A_106 : i32
      %sign3A_108 = arith.constant 0 : i32
      %sign3A_109 = arith.cmpi sgt, %add3A_65, %sign3A_108 : i32
      %sign3A_110 = arith.extui %sign3A_109 : i1 to i32
      %sign3A_111 = arith.constant 0 : i32
      %sign3A_112 = arith.cmpi slt, %add3A_65, %sign3A_111 : i32
      %sign3A_113 = arith.extui %sign3A_112 : i1 to i32
      %sign3A_114 = arith.subi %sign3A_110, %sign3A_113 : i32
      %sign3A_115 = arith.constant 0 : i32
      %sign3A_116 = arith.cmpi sgt, %jit3A_106, %sign3A_115 : i32
      %sign3A_117 = arith.extui %sign3A_116 : i1 to i32
      %sign3A_118 = arith.constant 0 : i32
      %sign3A_119 = arith.cmpi slt, %jit3A_106, %sign3A_118 : i32
      %sign3A_120 = arith.extui %sign3A_119 : i1 to i32
      %sign3A_121 = arith.subi %sign3A_117, %sign3A_120 : i32
      %ne3A_122 = arith.cmpi ne, %sign3A_114, %sign3A_121 : i32
      %rem3A_123 = arith.remsi %add3A_65, %jit3A_106 : i32
      %ne3A_124 = arith.constant 0 : i32
      %ne3A_125 = arith.cmpi ne, %rem3A_123, %ne3A_124 : i32
      %and3A_126 = arith.andi %ne3A_122, %ne3A_125 : i1
      %sub3A_127 = arith.constant 1 : i32
      %sub3A_128 = arith.subi %div3A_107, %sub3A_127 : i32
      %select_n3A_129 = arith.select %and3A_126, %sub3A_128, %div3A_107 : i32
      %jit3A_130 = arith.constant 4 : i32
      %eq3A_131 = arith.constant 0 : i32
      %eq3A_132 = arith.cmpi eq, %jit3A_130, %eq3A_131 : i32
      %jit3A_133 = arith.constant 1 : i32
      %select_n3A_134 = arith.select %eq3A_132, %jit3A_133, %jit3A_130 : i32
      %rem3A_135 = arith.remsi %add3A_65, %select_n3A_134 : i32
      %ne3A_136 = arith.constant 0 : i32
      %ne3A_137 = arith.cmpi ne, %rem3A_135, %ne3A_136 : i32
      %lt3A_138 = arith.constant 0 : i32
      %lt3A_139 = arith.cmpi slt, %rem3A_135, %lt3A_138 : i32
      %lt3A_140 = arith.constant 0 : i32
      %lt3A_141 = arith.cmpi slt, %select_n3A_134, %lt3A_140 : i32
      %ne3A_142 = arith.xori %lt3A_139, %lt3A_141 : i1
      %and3A_143 = arith.andi %ne3A_142, %ne3A_137 : i1
      %add3A_144 = arith.addi %rem3A_135, %select_n3A_134 : i32
      %select_n3A_145 = arith.select %and3A_143, %add3A_144, %rem3A_135 : i32
      %gt3A = arith.constant 0 : i32
      %gt3A_146 = arith.cmpi sgt, %scan3A_61, %gt3A : i32
      %convert_element_type3A = arith.extui %gt3A_146 : i1 to i32
      %cond3A = arith.constant 0 : i32
      %cond3A_147 = arith.cmpi ne, %convert_element_type3A, %cond3A : i32
      scf.if %cond3A_147 {
        %dma_wait3A_181 = arith.constant 0 : i32
        %dma_wait3A_182 = arith.constant 0 : i32
        %dma_wait3A_183 = arith.constant 0 : i32
        %dma_wait3A_184 = arith.constant 0 : i32
        %dma_wait3A_185 = arith.constant 0 : i32
        %dma_wait3A_186 = tpu.memref_slice %arg4[%select_n3A, %dma_wait3A_181, %dma_wait3A_182, %dma_wait3A_183, %dma_wait3A_184, %dma_wait3A_185] : memref<16x32x4x32x8x128xf32, #tpu.memory_space<hbm>> -> memref<1x1x1x16x8x128xf32, #tpu.memory_space<hbm>>
        %dma_wait3A_187 = tpu.memref_squeeze %dma_wait3A_186 : memref<1x1x1x16x8x128xf32, #tpu.memory_space<hbm>> -> memref<16x8x128xf32, #tpu.memory_space<hbm>>
        %dma_wait3A_188 = arith.constant 0 : i32
        %dma_wait3A_189 = arith.constant 0 : i32
        %dma_wait3A_190 = arith.constant 0 : i32
        %dma_wait3A_191 = tpu.memref_slice %arg4[%select_n3A, %dma_wait3A_181, %dma_wait3A_182, %dma_wait3A_188, %dma_wait3A_189, %dma_wait3A_190] : memref<16x32x4x32x8x128xf32, #tpu.memory_space<hbm>> -> memref<1x1x1x16x8x128xf32, #tpu.memory_space<hbm>>
        %dma_wait3A_192 = tpu.memref_squeeze %dma_wait3A_191 : memref<1x1x1x16x8x128xf32, #tpu.memory_space<hbm>> -> memref<16x8x128xf32, #tpu.memory_space<hbm>>
        tpu.wait_dma2 semaphore(%arg9 : memref<!tpu.dma_semaphore, #tpu.memory_space<semaphore_mem>>) src(%arg7 : memref<16x8x128xf32, #tpu.memory_space<vmem>>) dst(%dma_wait3A_192 : memref<16x8x128xf32, #tpu.memory_space<hbm>>)
      } else {
      }
      %mul3A_148 = arith.constant 8 : i32
      %mul3A_149 = arith.muli %select_n3A_105, %mul3A_148 : i32
      %parallel_loop3A = arith.constant 0 : i32
      %parallel_loop3A_150 = arith.constant 128 : i32
      %parallel_loop3A_151 = arith.constant 1 : i32
      scf.for %parallel_loop3A_181 = %parallel_loop3A to %parallel_loop3A_150 step %parallel_loop3A_151  : i32 {
        %parallel_loop3A_182 = arith.constant 16 : i32
        %parallel_loop3A_183 = arith.muli %parallel_loop3A_181, %parallel_loop3A_182 : i32
        %parallel_loop3A_184 = arith.index_cast %select_n3A_89 : i32 to index
        %parallel_loop3A_185 = arith.index_cast %parallel_loop3A_183 : i32 to index
        %parallel_loop3A_186 = tpu.vector_load %arg5[%parallel_loop3A_184, %parallel_loop3A_185] {strides = array<i32>} : memref<32x2048xi32, #tpu.memory_space<vmem>>, vector<16xi32>,
        %parallel_loop3A_187 = arith.constant 8 : i32
        %parallel_loop3A_188 = arith.divsi %parallel_loop3A_181, %parallel_loop3A_187 : i32
        %parallel_loop3A_189 = arith.constant 0 : i32
        %parallel_loop3A_190 = arith.cmpi sgt, %parallel_loop3A_181, %parallel_loop3A_189 : i32
        %parallel_loop3A_191 = arith.extui %parallel_loop3A_190 : i1 to i32
        %parallel_loop3A_192 = arith.constant 0 : i32
        %parallel_loop3A_193 = arith.cmpi slt, %parallel_loop3A_181, %parallel_loop3A_192 : i32
        %parallel_loop3A_194 = arith.extui %parallel_loop3A_193 : i1 to i32
        %parallel_loop3A_195 = arith.subi %parallel_loop3A_191, %parallel_loop3A_194 : i32
        %parallel_loop3A_196 = arith.constant 0 : i32
        %parallel_loop3A_197 = arith.cmpi sgt, %parallel_loop3A_187, %parallel_loop3A_196 : i32
        %parallel_loop3A_198 = arith.extui %parallel_loop3A_197 : i1 to i32
        %parallel_loop3A_199 = arith.constant 0 : i32
        %parallel_loop3A_200 = arith.cmpi slt, %parallel_loop3A_187, %parallel_loop3A_199 : i32
        %parallel_loop3A_201 = arith.extui %parallel_loop3A_200 : i1 to i32
        %parallel_loop3A_202 = arith.subi %parallel_loop3A_198, %parallel_loop3A_201 : i32
        %parallel_loop3A_203 = arith.cmpi ne, %parallel_loop3A_195, %parallel_loop3A_202 : i32
        %parallel_loop3A_204 = arith.remsi %parallel_loop3A_181, %parallel_loop3A_187 : i32
        %parallel_loop3A_205 = arith.constant 0 : i32
        %parallel_loop3A_206 = arith.cmpi ne, %parallel_loop3A_204, %parallel_loop3A_205 : i32
        %parallel_loop3A_207 = arith.andi %parallel_loop3A_203, %parallel_loop3A_206 : i1
        %parallel_loop3A_208 = arith.constant 1 : i32
        %parallel_loop3A_209 = arith.subi %parallel_loop3A_188, %parallel_loop3A_208 : i32
        %parallel_loop3A_210 = arith.select %parallel_loop3A_207, %parallel_loop3A_209, %parallel_loop3A_188 : i32
        %parallel_loop3A_211 = arith.constant 8 : i32
        %parallel_loop3A_212 = arith.constant 0 : i32
        %parallel_loop3A_213 = arith.cmpi eq, %parallel_loop3A_211, %parallel_loop3A_212 : i32
        %parallel_loop3A_214 = arith.constant 1 : i32
        %parallel_loop3A_215 = arith.select %parallel_loop3A_213, %parallel_loop3A_214, %parallel_loop3A_211 : i32
        %parallel_loop3A_216 = arith.remsi %parallel_loop3A_181, %parallel_loop3A_215 : i32
        %parallel_loop3A_217 = arith.constant 0 : i32
        %parallel_loop3A_218 = arith.cmpi ne, %parallel_loop3A_216, %parallel_loop3A_217 : i32
        %parallel_loop3A_219 = arith.constant 0 : i32
        %parallel_loop3A_220 = arith.cmpi slt, %parallel_loop3A_216, %parallel_loop3A_219 : i32
        %parallel_loop3A_221 = arith.constant 0 : i32
        %parallel_loop3A_222 = arith.cmpi slt, %parallel_loop3A_215, %parallel_loop3A_221 : i32
        %parallel_loop3A_223 = arith.xori %parallel_loop3A_220, %parallel_loop3A_222 : i1
        %parallel_loop3A_224 = arith.andi %parallel_loop3A_223, %parallel_loop3A_218 : i1
        %parallel_loop3A_225 = arith.addi %parallel_loop3A_216, %parallel_loop3A_215 : i32
        %parallel_loop3A_226 = arith.select %parallel_loop3A_224, %parallel_loop3A_225, %parallel_loop3A_216 : i32
        %parallel_loop3A_227 = arith.constant 16 : i32
        %parallel_loop3A_228 = arith.muli %parallel_loop3A_226, %parallel_loop3A_227 : i32
        %parallel_loop3A_229 = arith.constant 0 : i32
        %parallel_loop3A_230 = arith.addi %mul3A_149, %parallel_loop3A_229 : i32
        %parallel_loop3A_231 = arith.constant 512 : i32
        %parallel_loop3A_232 = arith.muli %parallel_loop3A_230, %parallel_loop3A_231 : i32
        %parallel_loop3A_233 = vector.broadcast %parallel_loop3A_232 : i32 to vector<16xi32>
        %parallel_loop3A_234 = arith.addi %parallel_loop3A_186, %parallel_loop3A_233 : vector<16xi32>
        %parallel_loop3A_235 = tpu.vector_load_idx %arg6[%parallel_loop3A_234] : memref<16384xf32, #tpu.memory_space<vmem>>[vector<16xi32>], vector<16xf32>,
        %parallel_loop3A_236 = arith.constant 0 : i32
        %parallel_loop3A_237 = arith.index_cast %parallel_loop3A_210 : i32 to index
        %parallel_loop3A_238 = arith.index_cast %parallel_loop3A_236 : i32 to index
        %parallel_loop3A_239 = arith.index_cast %parallel_loop3A_228 : i32 to index
        %parallel_loop3A_240 = tpu.vector_load %arg7[%parallel_loop3A_237, %parallel_loop3A_238, %parallel_loop3A_239] {strides = array<i32>} : memref<16x8x128xf32, #tpu.memory_space<vmem>>, vector<16xf32>,
        tpu.vector_store %arg7[%parallel_loop3A_237, %parallel_loop3A_238, %parallel_loop3A_239], %parallel_loop3A_235 {strides = array<i32>} : memref<16x8x128xf32, #tpu.memory_space<vmem>>, vector<16xf32>,
        %parallel_loop3A_241 = arith.constant 1 : i32
        %parallel_loop3A_242 = arith.addi %mul3A_149, %parallel_loop3A_241 : i32
        %parallel_loop3A_243 = arith.constant 512 : i32
        %parallel_loop3A_244 = arith.muli %parallel_loop3A_242, %parallel_loop3A_243 : i32
        %parallel_loop3A_245 = vector.broadcast %parallel_loop3A_244 : i32 to vector<16xi32>
        %parallel_loop3A_246 = arith.addi %parallel_loop3A_186, %parallel_loop3A_245 : vector<16xi32>
        %parallel_loop3A_247 = tpu.vector_load_idx %arg6[%parallel_loop3A_246] : memref<16384xf32, #tpu.memory_space<vmem>>[vector<16xi32>], vector<16xf32>,
        %parallel_loop3A_248 = arith.constant 1 : i32
        %parallel_loop3A_249 = arith.index_cast %parallel_loop3A_210 : i32 to index
        %parallel_loop3A_250 = arith.index_cast %parallel_loop3A_248 : i32 to index
        %parallel_loop3A_251 = arith.index_cast %parallel_loop3A_228 : i32 to index
        %parallel_loop3A_252 = tpu.vector_load %arg7[%parallel_loop3A_249, %parallel_loop3A_250, %parallel_loop3A_251] {strides = array<i32>} : memref<16x8x128xf32, #tpu.memory_space<vmem>>, vector<16xf32>,
        tpu.vector_store %arg7[%parallel_loop3A_249, %parallel_loop3A_250, %parallel_loop3A_251], %parallel_loop3A_247 {strides = array<i32>} : memref<16x8x128xf32, #tpu.memory_space<vmem>>, vector<16xf32>,
        %parallel_loop3A_253 = arith.constant 2 : i32
        %parallel_loop3A_254 = arith.addi %mul3A_149, %parallel_loop3A_253 : i32
        %parallel_loop3A_255 = arith.constant 512 : i32
        %parallel_loop3A_256 = arith.muli %parallel_loop3A_254, %parallel_loop3A_255 : i32
        %parallel_loop3A_257 = vector.broadcast %parallel_loop3A_256 : i32 to vector<16xi32>
        %parallel_loop3A_258 = arith.addi %parallel_loop3A_186, %parallel_loop3A_257 : vector<16xi32>
        %parallel_loop3A_259 = tpu.vector_load_idx %arg6[%parallel_loop3A_258] : memref<16384xf32, #tpu.memory_space<vmem>>[vector<16xi32>], vector<16xf32>,
        %parallel_loop3A_260 = arith.constant 2 : i32
        %parallel_loop3A_261 = arith.index_cast %parallel_loop3A_210 : i32 to index
        %parallel_loop3A_262 = arith.index_cast %parallel_loop3A_260 : i32 to index
        %parallel_loop3A_263 = arith.index_cast %parallel_loop3A_228 : i32 to index
        %parallel_loop3A_264 = tpu.vector_load %arg7[%parallel_loop3A_261, %parallel_loop3A_262, %parallel_loop3A_263] {strides = array<i32>} : memref<16x8x128xf32, #tpu.memory_space<vmem>>, vector<16xf32>,
        tpu.vector_store %arg7[%parallel_loop3A_261, %parallel_loop3A_262, %parallel_loop3A_263], %parallel_loop3A_259 {strides = array<i32>} : memref<16x8x128xf32, #tpu.memory_space<vmem>>, vector<16xf32>,
        %parallel_loop3A_265 = arith.constant 3 : i32
        %parallel_loop3A_266 = arith.addi %mul3A_149, %parallel_loop3A_265 : i32
        %parallel_loop3A_267 = arith.constant 512 : i32
        %parallel_loop3A_268 = arith.muli %parallel_loop3A_266, %parallel_loop3A_267 : i32
        %parallel_loop3A_269 = vector.broadcast %parallel_loop3A_268 : i32 to vector<16xi32>
        %parallel_loop3A_270 = arith.addi %parallel_loop3A_186, %parallel_loop3A_269 : vector<16xi32>
        %parallel_loop3A_271 = tpu.vector_load_idx %arg6[%parallel_loop3A_270] : memref<16384xf32, #tpu.memory_space<vmem>>[vector<16xi32>], vector<16xf32>,
        %parallel_loop3A_272 = arith.constant 3 : i32
        %parallel_loop3A_273 = arith.index_cast %parallel_loop3A_210 : i32 to index
        %parallel_loop3A_274 = arith.index_cast %parallel_loop3A_272 : i32 to index
        %parallel_loop3A_275 = arith.index_cast %parallel_loop3A_228 : i32 to index
        %parallel_loop3A_276 = tpu.vector_load %arg7[%parallel_loop3A_273, %parallel_loop3A_274, %parallel_loop3A_275] {strides = array<i32>} : memref<16x8x128xf32, #tpu.memory_space<vmem>>, vector<16xf32>,
        tpu.vector_store %arg7[%parallel_loop3A_273, %parallel_loop3A_274, %parallel_loop3A_275], %parallel_loop3A_271 {strides = array<i32>} : memref<16x8x128xf32, #tpu.memory_space<vmem>>, vector<16xf32>,
        %parallel_loop3A_277 = arith.constant 4 : i32
        %parallel_loop3A_278 = arith.addi %mul3A_149, %parallel_loop3A_277 : i32
        %parallel_loop3A_279 = arith.constant 512 : i32
        %parallel_loop3A_280 = arith.muli %parallel_loop3A_278, %parallel_loop3A_279 : i32
        %parallel_loop3A_281 = vector.broadcast %parallel_loop3A_280 : i32 to vector<16xi32>
        %parallel_loop3A_282 = arith.addi %parallel_loop3A_186, %parallel_loop3A_281 : vector<16xi32>
        %parallel_loop3A_283 = tpu.vector_load_idx %arg6[%parallel_loop3A_282] : memref<16384xf32, #tpu.memory_space<vmem>>[vector<16xi32>], vector<16xf32>,
        %parallel_loop3A_284 = arith.constant 4 : i32
        %parallel_loop3A_285 = arith.index_cast %parallel_loop3A_210 : i32 to index
        %parallel_loop3A_286 = arith.index_cast %parallel_loop3A_284 : i32 to index
        %parallel_loop3A_287 = arith.index_cast %parallel_loop3A_228 : i32 to index
        %parallel_loop3A_288 = tpu.vector_load %arg7[%parallel_loop3A_285, %parallel_loop3A_286, %parallel_loop3A_287] {strides = array<i32>} : memref<16x8x128xf32, #tpu.memory_space<vmem>>, vector<16xf32>,
        tpu.vector_store %arg7[%parallel_loop3A_285, %parallel_loop3A_286, %parallel_loop3A_287], %parallel_loop3A_283 {strides = array<i32>} : memref<16x8x128xf32, #tpu.memory_space<vmem>>, vector<16xf32>,
        %parallel_loop3A_289 = arith.constant 5 : i32
        %parallel_loop3A_290 = arith.addi %mul3A_149, %parallel_loop3A_289 : i32
        %parallel_loop3A_291 = arith.constant 512 : i32
        %parallel_loop3A_292 = arith.muli %parallel_loop3A_290, %parallel_loop3A_291 : i32
        %parallel_loop3A_293 = vector.broadcast %parallel_loop3A_292 : i32 to vector<16xi32>
        %parallel_loop3A_294 = arith.addi %parallel_loop3A_186, %parallel_loop3A_293 : vector<16xi32>
        %parallel_loop3A_295 = tpu.vector_load_idx %arg6[%parallel_loop3A_294] : memref<16384xf32, #tpu.memory_space<vmem>>[vector<16xi32>], vector<16xf32>,
        %parallel_loop3A_296 = arith.constant 5 : i32
        %parallel_loop3A_297 = arith.index_cast %parallel_loop3A_210 : i32 to index
        %parallel_loop3A_298 = arith.index_cast %parallel_loop3A_296 : i32 to index
        %parallel_loop3A_299 = arith.index_cast %parallel_loop3A_228 : i32 to index
        %parallel_loop3A_300 = tpu.vector_load %arg7[%parallel_loop3A_297, %parallel_loop3A_298, %parallel_loop3A_299] {strides = array<i32>} : memref<16x8x128xf32, #tpu.memory_space<vmem>>, vector<16xf32>,
        tpu.vector_store %arg7[%parallel_loop3A_297, %parallel_loop3A_298, %parallel_loop3A_299], %parallel_loop3A_295 {strides = array<i32>} : memref<16x8x128xf32, #tpu.memory_space<vmem>>, vector<16xf32>,
        %parallel_loop3A_301 = arith.constant 6 : i32
        %parallel_loop3A_302 = arith.addi %mul3A_149, %parallel_loop3A_301 : i32
        %parallel_loop3A_303 = arith.constant 512 : i32
        %parallel_loop3A_304 = arith.muli %parallel_loop3A_302, %parallel_loop3A_303 : i32
        %parallel_loop3A_305 = vector.broadcast %parallel_loop3A_304 : i32 to vector<16xi32>
        %parallel_loop3A_306 = arith.addi %parallel_loop3A_186, %parallel_loop3A_305 : vector<16xi32>
        %parallel_loop3A_307 = tpu.vector_load_idx %arg6[%parallel_loop3A_306] : memref<16384xf32, #tpu.memory_space<vmem>>[vector<16xi32>], vector<16xf32>,
        %parallel_loop3A_308 = arith.constant 6 : i32
        %parallel_loop3A_309 = arith.index_cast %parallel_loop3A_210 : i32 to index
        %parallel_loop3A_310 = arith.index_cast %parallel_loop3A_308 : i32 to index
        %parallel_loop3A_311 = arith.index_cast %parallel_loop3A_228 : i32 to index
        %parallel_loop3A_312 = tpu.vector_load %arg7[%parallel_loop3A_309, %parallel_loop3A_310, %parallel_loop3A_311] {strides = array<i32>} : memref<16x8x128xf32, #tpu.memory_space<vmem>>, vector<16xf32>,
        tpu.vector_store %arg7[%parallel_loop3A_309, %parallel_loop3A_310, %parallel_loop3A_311], %parallel_loop3A_307 {strides = array<i32>} : memref<16x8x128xf32, #tpu.memory_space<vmem>>, vector<16xf32>,
        %parallel_loop3A_313 = arith.constant 7 : i32
        %parallel_loop3A_314 = arith.addi %mul3A_149, %parallel_loop3A_313 : i32
        %parallel_loop3A_315 = arith.constant 512 : i32
        %parallel_loop3A_316 = arith.muli %parallel_loop3A_314, %parallel_loop3A_315 : i32
        %parallel_loop3A_317 = vector.broadcast %parallel_loop3A_316 : i32 to vector<16xi32>
        %parallel_loop3A_318 = arith.addi %parallel_loop3A_186, %parallel_loop3A_317 : vector<16xi32>
        %parallel_loop3A_319 = tpu.vector_load_idx %arg6[%parallel_loop3A_318] : memref<16384xf32, #tpu.memory_space<vmem>>[vector<16xi32>], vector<16xf32>,
        %parallel_loop3A_320 = arith.constant 7 : i32
        %parallel_loop3A_321 = arith.index_cast %parallel_loop3A_210 : i32 to index
        %parallel_loop3A_322 = arith.index_cast %parallel_loop3A_320 : i32 to index
        %parallel_loop3A_323 = arith.index_cast %parallel_loop3A_228 : i32 to index
        %parallel_loop3A_324 = tpu.vector_load %arg7[%parallel_loop3A_321, %parallel_loop3A_322, %parallel_loop3A_323] {strides = array<i32>} : memref<16x8x128xf32, #tpu.memory_space<vmem>>, vector<16xf32>,
        tpu.vector_store %arg7[%parallel_loop3A_321, %parallel_loop3A_322, %parallel_loop3A_323], %parallel_loop3A_319 {strides = array<i32>} : memref<16x8x128xf32, #tpu.memory_space<vmem>>, vector<16xf32>,
      } {sc.loop_unroll_factor = 4 : i64, sc.parallel_access}
      %mul3A_152 = arith.constant 16 : i32
      %mul3A_153 = arith.muli %select_n3A_30, %mul3A_152 : i32
      %dma_start3A = arith.constant 0 : i32
      %dma_start3A_154 = arith.constant 0 : i32
      %dma_start3A_155 = tpu.memref_slice %arg4[%select_n3A, %select_n3A_89, %select_n3A_105, %mul3A_153, %dma_start3A, %dma_start3A_154] : memref<16x32x4x32x8x128xf32, #tpu.memory_space<hbm>> -> memref<1x1x1x16x8x128xf32, #tpu.memory_space<hbm>>
      %dma_start3A_156 = tpu.memref_squeeze %dma_start3A_155 : memref<1x1x1x16x8x128xf32, #tpu.memory_space<hbm>> -> memref<16x8x128xf32, #tpu.memory_space<hbm>>
      %dma_start3A_157 = arith.constant 0 : i32
      %dma_start3A_158 = arith.constant 0 : i32
      %dma_start3A_159 = tpu.memref_slice %arg4[%select_n3A, %select_n3A_89, %select_n3A_105, %mul3A_153, %dma_start3A_157, %dma_start3A_158] : memref<16x32x4x32x8x128xf32, #tpu.memory_space<hbm>> -> memref<1x1x1x16x8x128xf32, #tpu.memory_space<hbm>>
      %dma_start3A_160 = tpu.memref_squeeze %dma_start3A_159 : memref<1x1x1x16x8x128xf32, #tpu.memory_space<hbm>> -> memref<16x8x128xf32, #tpu.memory_space<hbm>>
      tpu.enqueue_dma source(%arg7 : memref<16x8x128xf32, #tpu.memory_space<vmem>>) target(%dma_start3A_160 : memref<16x8x128xf32, #tpu.memory_space<hbm>>) target_semaphore(%arg9 : memref<!tpu.dma_semaphore, #tpu.memory_space<semaphore_mem>>)
      %gt3A_161 = arith.constant 0 : i32
      %gt3A_162 = arith.cmpi sgt, %scan3A_61, %gt3A_161 : i32
      %convert_element_type3A_163 = arith.extui %gt3A_162 : i1 to i32
      %cond3A_164 = arith.constant 0 : i32
      %cond3A_165 = arith.cmpi ne, %convert_element_type3A_163, %cond3A_164 : i32
      scf.if %cond3A_165 {
        %dma_wait3A_181 = arith.constant 0 : i32
        %dma_wait3A_182 = arith.constant 0 : i32
        %dma_wait3A_183 = arith.constant 0 : i32
        %dma_wait3A_184 = arith.constant 0 : i32
        %dma_wait3A_185 = arith.constant 0 : i32
        %dma_wait3A_186 = tpu.memref_slice %arg4[%select_n3A, %dma_wait3A_181, %dma_wait3A_182, %dma_wait3A_183, %dma_wait3A_184, %dma_wait3A_185] : memref<16x32x4x32x8x128xf32, #tpu.memory_space<hbm>> -> memref<1x1x1x16x8x128xf32, #tpu.memory_space<hbm>>
        %dma_wait3A_187 = tpu.memref_squeeze %dma_wait3A_186 : memref<1x1x1x16x8x128xf32, #tpu.memory_space<hbm>> -> memref<16x8x128xf32, #tpu.memory_space<hbm>>
        %dma_wait3A_188 = arith.constant 0 : i32
        %dma_wait3A_189 = arith.constant 0 : i32
        %dma_wait3A_190 = arith.constant 0 : i32
        %dma_wait3A_191 = tpu.memref_slice %arg4[%select_n3A, %dma_wait3A_181, %dma_wait3A_182, %dma_wait3A_188, %dma_wait3A_189, %dma_wait3A_190] : memref<16x32x4x32x8x128xf32, #tpu.memory_space<hbm>> -> memref<1x1x1x16x8x128xf32, #tpu.memory_space<hbm>>
        %dma_wait3A_192 = tpu.memref_squeeze %dma_wait3A_191 : memref<1x1x1x16x8x128xf32, #tpu.memory_space<hbm>> -> memref<16x8x128xf32, #tpu.memory_space<hbm>>
        tpu.wait_dma2 semaphore(%arg10 : memref<!tpu.dma_semaphore, #tpu.memory_space<semaphore_mem>>) src(%arg8 : memref<16x8x128xf32, #tpu.memory_space<vmem>>) dst(%dma_wait3A_192 : memref<16x8x128xf32, #tpu.memory_space<hbm>>)
      } else {
      }
      %mul3A_166 = arith.constant 8 : i32
      %mul3A_167 = arith.muli %select_n3A_145, %mul3A_166 : i32
      %parallel_loop3A_168 = arith.constant 0 : i32
      %parallel_loop3A_169 = arith.constant 128 : i32
      %parallel_loop3A_170 = arith.constant 1 : i32
      scf.for %parallel_loop3A_181 = %parallel_loop3A_168 to %parallel_loop3A_169 step %parallel_loop3A_170  : i32 {
        %parallel_loop3A_182 = arith.constant 16 : i32
        %parallel_loop3A_183 = arith.muli %parallel_loop3A_181, %parallel_loop3A_182 : i32
        %parallel_loop3A_184 = arith.index_cast %select_n3A_129 : i32 to index
        %parallel_loop3A_185 = arith.index_cast %parallel_loop3A_183 : i32 to index
        %parallel_loop3A_186 = tpu.vector_load %arg5[%parallel_loop3A_184, %parallel_loop3A_185] {strides = array<i32>} : memref<32x2048xi32, #tpu.memory_space<vmem>>, vector<16xi32>,
        %parallel_loop3A_187 = arith.constant 8 : i32
        %parallel_loop3A_188 = arith.divsi %parallel_loop3A_181, %parallel_loop3A_187 : i32
        %parallel_loop3A_189 = arith.constant 0 : i32
        %parallel_loop3A_190 = arith.cmpi sgt, %parallel_loop3A_181, %parallel_loop3A_189 : i32
        %parallel_loop3A_191 = arith.extui %parallel_loop3A_190 : i1 to i32
        %parallel_loop3A_192 = arith.constant 0 : i32
        %parallel_loop3A_193 = arith.cmpi slt, %parallel_loop3A_181, %parallel_loop3A_192 : i32
        %parallel_loop3A_194 = arith.extui %parallel_loop3A_193 : i1 to i32
        %parallel_loop3A_195 = arith.subi %parallel_loop3A_191, %parallel_loop3A_194 : i32
        %parallel_loop3A_196 = arith.constant 0 : i32
        %parallel_loop3A_197 = arith.cmpi sgt, %parallel_loop3A_187, %parallel_loop3A_196 : i32
        %parallel_loop3A_198 = arith.extui %parallel_loop3A_197 : i1 to i32
        %parallel_loop3A_199 = arith.constant 0 : i32
        %parallel_loop3A_200 = arith.cmpi slt, %parallel_loop3A_187, %parallel_loop3A_199 : i32
        %parallel_loop3A_201 = arith.extui %parallel_loop3A_200 : i1 to i32
        %parallel_loop3A_202 = arith.subi %parallel_loop3A_198, %parallel_loop3A_201 : i32
        %parallel_loop3A_203 = arith.cmpi ne, %parallel_loop3A_195, %parallel_loop3A_202 : i32
        %parallel_loop3A_204 = arith.remsi %parallel_loop3A_181, %parallel_loop3A_187 : i32
        %parallel_loop3A_205 = arith.constant 0 : i32
        %parallel_loop3A_206 = arith.cmpi ne, %parallel_loop3A_204, %parallel_loop3A_205 : i32
        %parallel_loop3A_207 = arith.andi %parallel_loop3A_203, %parallel_loop3A_206 : i1
        %parallel_loop3A_208 = arith.constant 1 : i32
        %parallel_loop3A_209 = arith.subi %parallel_loop3A_188, %parallel_loop3A_208 : i32
        %parallel_loop3A_210 = arith.select %parallel_loop3A_207, %parallel_loop3A_209, %parallel_loop3A_188 : i32
        %parallel_loop3A_211 = arith.constant 8 : i32
        %parallel_loop3A_212 = arith.constant 0 : i32
        %parallel_loop3A_213 = arith.cmpi eq, %parallel_loop3A_211, %parallel_loop3A_212 : i32
        %parallel_loop3A_214 = arith.constant 1 : i32
        %parallel_loop3A_215 = arith.select %parallel_loop3A_213, %parallel_loop3A_214, %parallel_loop3A_211 : i32
        %parallel_loop3A_216 = arith.remsi %parallel_loop3A_181, %parallel_loop3A_215 : i32
        %parallel_loop3A_217 = arith.constant 0 : i32
        %parallel_loop3A_218 = arith.cmpi ne, %parallel_loop3A_216, %parallel_loop3A_217 : i32
        %parallel_loop3A_219 = arith.constant 0 : i32
        %parallel_loop3A_220 = arith.cmpi slt, %parallel_loop3A_216, %parallel_loop3A_219 : i32
        %parallel_loop3A_221 = arith.constant 0 : i32
        %parallel_loop3A_222 = arith.cmpi slt, %parallel_loop3A_215, %parallel_loop3A_221 : i32
        %parallel_loop3A_223 = arith.xori %parallel_loop3A_220, %parallel_loop3A_222 : i1
        %parallel_loop3A_224 = arith.andi %parallel_loop3A_223, %parallel_loop3A_218 : i1
        %parallel_loop3A_225 = arith.addi %parallel_loop3A_216, %parallel_loop3A_215 : i32
        %parallel_loop3A_226 = arith.select %parallel_loop3A_224, %parallel_loop3A_225, %parallel_loop3A_216 : i32
        %parallel_loop3A_227 = arith.constant 16 : i32
        %parallel_loop3A_228 = arith.muli %parallel_loop3A_226, %parallel_loop3A_227 : i32
        %parallel_loop3A_229 = arith.constant 0 : i32
        %parallel_loop3A_230 = arith.addi %mul3A_167, %parallel_loop3A_229 : i32
        %parallel_loop3A_231 = arith.constant 512 : i32
        %parallel_loop3A_232 = arith.muli %parallel_loop3A_230, %parallel_loop3A_231 : i32
        %parallel_loop3A_233 = vector.broadcast %parallel_loop3A_232 : i32 to vector<16xi32>
        %parallel_loop3A_234 = arith.addi %parallel_loop3A_186, %parallel_loop3A_233 : vector<16xi32>
        %parallel_loop3A_235 = tpu.vector_load_idx %arg6[%parallel_loop3A_234] : memref<16384xf32, #tpu.memory_space<vmem>>[vector<16xi32>], vector<16xf32>,
        %parallel_loop3A_236 = arith.constant 0 : i32
        %parallel_loop3A_237 = arith.index_cast %parallel_loop3A_210 : i32 to index
        %parallel_loop3A_238 = arith.index_cast %parallel_loop3A_236 : i32 to index
        %parallel_loop3A_239 = arith.index_cast %parallel_loop3A_228 : i32 to index
        %parallel_loop3A_240 = tpu.vector_load %arg8[%parallel_loop3A_237, %parallel_loop3A_238, %parallel_loop3A_239] {strides = array<i32>} : memref<16x8x128xf32, #tpu.memory_space<vmem>>, vector<16xf32>,
        tpu.vector_store %arg8[%parallel_loop3A_237, %parallel_loop3A_238, %parallel_loop3A_239], %parallel_loop3A_235 {strides = array<i32>} : memref<16x8x128xf32, #tpu.memory_space<vmem>>, vector<16xf32>,
        %parallel_loop3A_241 = arith.constant 1 : i32
        %parallel_loop3A_242 = arith.addi %mul3A_167, %parallel_loop3A_241 : i32
        %parallel_loop3A_243 = arith.constant 512 : i32
        %parallel_loop3A_244 = arith.muli %parallel_loop3A_242, %parallel_loop3A_243 : i32
        %parallel_loop3A_245 = vector.broadcast %parallel_loop3A_244 : i32 to vector<16xi32>
        %parallel_loop3A_246 = arith.addi %parallel_loop3A_186, %parallel_loop3A_245 : vector<16xi32>
        %parallel_loop3A_247 = tpu.vector_load_idx %arg6[%parallel_loop3A_246] : memref<16384xf32, #tpu.memory_space<vmem>>[vector<16xi32>], vector<16xf32>,
        %parallel_loop3A_248 = arith.constant 1 : i32
        %parallel_loop3A_249 = arith.index_cast %parallel_loop3A_210 : i32 to index
        %parallel_loop3A_250 = arith.index_cast %parallel_loop3A_248 : i32 to index
        %parallel_loop3A_251 = arith.index_cast %parallel_loop3A_228 : i32 to index
        %parallel_loop3A_252 = tpu.vector_load %arg8[%parallel_loop3A_249, %parallel_loop3A_250, %parallel_loop3A_251] {strides = array<i32>} : memref<16x8x128xf32, #tpu.memory_space<vmem>>, vector<16xf32>,
        tpu.vector_store %arg8[%parallel_loop3A_249, %parallel_loop3A_250, %parallel_loop3A_251], %parallel_loop3A_247 {strides = array<i32>} : memref<16x8x128xf32, #tpu.memory_space<vmem>>, vector<16xf32>,
        %parallel_loop3A_253 = arith.constant 2 : i32
        %parallel_loop3A_254 = arith.addi %mul3A_167, %parallel_loop3A_253 : i32
        %parallel_loop3A_255 = arith.constant 512 : i32
        %parallel_loop3A_256 = arith.muli %parallel_loop3A_254, %parallel_loop3A_255 : i32
        %parallel_loop3A_257 = vector.broadcast %parallel_loop3A_256 : i32 to vector<16xi32>
        %parallel_loop3A_258 = arith.addi %parallel_loop3A_186, %parallel_loop3A_257 : vector<16xi32>
        %parallel_loop3A_259 = tpu.vector_load_idx %arg6[%parallel_loop3A_258] : memref<16384xf32, #tpu.memory_space<vmem>>[vector<16xi32>], vector<16xf32>,
        %parallel_loop3A_260 = arith.constant 2 : i32
        %parallel_loop3A_261 = arith.index_cast %parallel_loop3A_210 : i32 to index
        %parallel_loop3A_262 = arith.index_cast %parallel_loop3A_260 : i32 to index
        %parallel_loop3A_263 = arith.index_cast %parallel_loop3A_228 : i32 to index
        %parallel_loop3A_264 = tpu.vector_load %arg8[%parallel_loop3A_261, %parallel_loop3A_262, %parallel_loop3A_263] {strides = array<i32>} : memref<16x8x128xf32, #tpu.memory_space<vmem>>, vector<16xf32>,
        tpu.vector_store %arg8[%parallel_loop3A_261, %parallel_loop3A_262, %parallel_loop3A_263], %parallel_loop3A_259 {strides = array<i32>} : memref<16x8x128xf32, #tpu.memory_space<vmem>>, vector<16xf32>,
        %parallel_loop3A_265 = arith.constant 3 : i32
        %parallel_loop3A_266 = arith.addi %mul3A_167, %parallel_loop3A_265 : i32
        %parallel_loop3A_267 = arith.constant 512 : i32
        %parallel_loop3A_268 = arith.muli %parallel_loop3A_266, %parallel_loop3A_267 : i32
        %parallel_loop3A_269 = vector.broadcast %parallel_loop3A_268 : i32 to vector<16xi32>
        %parallel_loop3A_270 = arith.addi %parallel_loop3A_186, %parallel_loop3A_269 : vector<16xi32>
        %parallel_loop3A_271 = tpu.vector_load_idx %arg6[%parallel_loop3A_270] : memref<16384xf32, #tpu.memory_space<vmem>>[vector<16xi32>], vector<16xf32>,
        %parallel_loop3A_272 = arith.constant 3 : i32
        %parallel_loop3A_273 = arith.index_cast %parallel_loop3A_210 : i32 to index
        %parallel_loop3A_274 = arith.index_cast %parallel_loop3A_272 : i32 to index
        %parallel_loop3A_275 = arith.index_cast %parallel_loop3A_228 : i32 to index
        %parallel_loop3A_276 = tpu.vector_load %arg8[%parallel_loop3A_273, %parallel_loop3A_274, %parallel_loop3A_275] {strides = array<i32>} : memref<16x8x128xf32, #tpu.memory_space<vmem>>, vector<16xf32>,
        tpu.vector_store %arg8[%parallel_loop3A_273, %parallel_loop3A_274, %parallel_loop3A_275], %parallel_loop3A_271 {strides = array<i32>} : memref<16x8x128xf32, #tpu.memory_space<vmem>>, vector<16xf32>,
        %parallel_loop3A_277 = arith.constant 4 : i32
        %parallel_loop3A_278 = arith.addi %mul3A_167, %parallel_loop3A_277 : i32
        %parallel_loop3A_279 = arith.constant 512 : i32
        %parallel_loop3A_280 = arith.muli %parallel_loop3A_278, %parallel_loop3A_279 : i32
        %parallel_loop3A_281 = vector.broadcast %parallel_loop3A_280 : i32 to vector<16xi32>
        %parallel_loop3A_282 = arith.addi %parallel_loop3A_186, %parallel_loop3A_281 : vector<16xi32>
        %parallel_loop3A_283 = tpu.vector_load_idx %arg6[%parallel_loop3A_282] : memref<16384xf32, #tpu.memory_space<vmem>>[vector<16xi32>], vector<16xf32>,
        %parallel_loop3A_284 = arith.constant 4 : i32
        %parallel_loop3A_285 = arith.index_cast %parallel_loop3A_210 : i32 to index
        %parallel_loop3A_286 = arith.index_cast %parallel_loop3A_284 : i32 to index
        %parallel_loop3A_287 = arith.index_cast %parallel_loop3A_228 : i32 to index
        %parallel_loop3A_288 = tpu.vector_load %arg8[%parallel_loop3A_285, %parallel_loop3A_286, %parallel_loop3A_287] {strides = array<i32>} : memref<16x8x128xf32, #tpu.memory_space<vmem>>, vector<16xf32>,
        tpu.vector_store %arg8[%parallel_loop3A_285, %parallel_loop3A_286, %parallel_loop3A_287], %parallel_loop3A_283 {strides = array<i32>} : memref<16x8x128xf32, #tpu.memory_space<vmem>>, vector<16xf32>,
        %parallel_loop3A_289 = arith.constant 5 : i32
        %parallel_loop3A_290 = arith.addi %mul3A_167, %parallel_loop3A_289 : i32
        %parallel_loop3A_291 = arith.constant 512 : i32
        %parallel_loop3A_292 = arith.muli %parallel_loop3A_290, %parallel_loop3A_291 : i32
        %parallel_loop3A_293 = vector.broadcast %parallel_loop3A_292 : i32 to vector<16xi32>
        %parallel_loop3A_294 = arith.addi %parallel_loop3A_186, %parallel_loop3A_293 : vector<16xi32>
        %parallel_loop3A_295 = tpu.vector_load_idx %arg6[%parallel_loop3A_294] : memref<16384xf32, #tpu.memory_space<vmem>>[vector<16xi32>], vector<16xf32>,
        %parallel_loop3A_296 = arith.constant 5 : i32
        %parallel_loop3A_297 = arith.index_cast %parallel_loop3A_210 : i32 to index
        %parallel_loop3A_298 = arith.index_cast %parallel_loop3A_296 : i32 to index
        %parallel_loop3A_299 = arith.index_cast %parallel_loop3A_228 : i32 to index
        %parallel_loop3A_300 = tpu.vector_load %arg8[%parallel_loop3A_297, %parallel_loop3A_298, %parallel_loop3A_299] {strides = array<i32>} : memref<16x8x128xf32, #tpu.memory_space<vmem>>, vector<16xf32>,
        tpu.vector_store %arg8[%parallel_loop3A_297, %parallel_loop3A_298, %parallel_loop3A_299], %parallel_loop3A_295 {strides = array<i32>} : memref<16x8x128xf32, #tpu.memory_space<vmem>>, vector<16xf32>,
        %parallel_loop3A_301 = arith.constant 6 : i32
        %parallel_loop3A_302 = arith.addi %mul3A_167, %parallel_loop3A_301 : i32
        %parallel_loop3A_303 = arith.constant 512 : i32
        %parallel_loop3A_304 = arith.muli %parallel_loop3A_302, %parallel_loop3A_303 : i32
        %parallel_loop3A_305 = vector.broadcast %parallel_loop3A_304 : i32 to vector<16xi32>
        %parallel_loop3A_306 = arith.addi %parallel_loop3A_186, %parallel_loop3A_305 : vector<16xi32>
        %parallel_loop3A_307 = tpu.vector_load_idx %arg6[%parallel_loop3A_306] : memref<16384xf32, #tpu.memory_space<vmem>>[vector<16xi32>], vector<16xf32>,
        %parallel_loop3A_308 = arith.constant 6 : i32
        %parallel_loop3A_309 = arith.index_cast %parallel_loop3A_210 : i32 to index
        %parallel_loop3A_310 = arith.index_cast %parallel_loop3A_308 : i32 to index
        %parallel_loop3A_311 = arith.index_cast %parallel_loop3A_228 : i32 to index
        %parallel_loop3A_312 = tpu.vector_load %arg8[%parallel_loop3A_309, %parallel_loop3A_310, %parallel_loop3A_311] {strides = array<i32>} : memref<16x8x128xf32, #tpu.memory_space<vmem>>, vector<16xf32>,
        tpu.vector_store %arg8[%parallel_loop3A_309, %parallel_loop3A_310, %parallel_loop3A_311], %parallel_loop3A_307 {strides = array<i32>} : memref<16x8x128xf32, #tpu.memory_space<vmem>>, vector<16xf32>,
        %parallel_loop3A_313 = arith.constant 7 : i32
        %parallel_loop3A_314 = arith.addi %mul3A_167, %parallel_loop3A_313 : i32
        %parallel_loop3A_315 = arith.constant 512 : i32
        %parallel_loop3A_316 = arith.muli %parallel_loop3A_314, %parallel_loop3A_315 : i32
        %parallel_loop3A_317 = vector.broadcast %parallel_loop3A_316 : i32 to vector<16xi32>
        %parallel_loop3A_318 = arith.addi %parallel_loop3A_186, %parallel_loop3A_317 : vector<16xi32>
        %parallel_loop3A_319 = tpu.vector_load_idx %arg6[%parallel_loop3A_318] : memref<16384xf32, #tpu.memory_space<vmem>>[vector<16xi32>], vector<16xf32>,
        %parallel_loop3A_320 = arith.constant 7 : i32
        %parallel_loop3A_321 = arith.index_cast %parallel_loop3A_210 : i32 to index
        %parallel_loop3A_322 = arith.index_cast %parallel_loop3A_320 : i32 to index
        %parallel_loop3A_323 = arith.index_cast %parallel_loop3A_228 : i32 to index
        %parallel_loop3A_324 = tpu.vector_load %arg8[%parallel_loop3A_321, %parallel_loop3A_322, %parallel_loop3A_323] {strides = array<i32>} : memref<16x8x128xf32, #tpu.memory_space<vmem>>, vector<16xf32>,
        tpu.vector_store %arg8[%parallel_loop3A_321, %parallel_loop3A_322, %parallel_loop3A_323], %parallel_loop3A_319 {strides = array<i32>} : memref<16x8x128xf32, #tpu.memory_space<vmem>>, vector<16xf32>,
      } {sc.loop_unroll_factor = 4 : i64, sc.parallel_access}
      %mul3A_171 = arith.constant 16 : i32
      %mul3A_172 = arith.muli %select_n3A_30, %mul3A_171 : i32
      %dma_start3A_173 = arith.constant 0 : i32
      %dma_start3A_174 = arith.constant 0 : i32
      %dma_start3A_175 = tpu.memref_slice %arg4[%select_n3A, %select_n3A_129, %select_n3A_145, %mul3A_172, %dma_start3A_173, %dma_start3A_174] : memref<16x32x4x32x8x128xf32, #tpu.memory_space<hbm>> -> memref<1x1x1x16x8x128xf32, #tpu.memory_space<hbm>>
      %dma_start3A_176 = tpu.memref_squeeze %dma_start3A_175 : memref<1x1x1x16x8x128xf32, #tpu.memory_space<hbm>> -> memref<16x8x128xf32, #tpu.memory_space<hbm>>
      %dma_start3A_177 = arith.constant 0 : i32
      %dma_start3A_178 = arith.constant 0 : i32
      %dma_start3A_179 = tpu.memref_slice %arg4[%select_n3A, %select_n3A_129, %select_n3A_145, %mul3A_172, %dma_start3A_177, %dma_start3A_178] : memref<16x32x4x32x8x128xf32, #tpu.memory_space<hbm>> -> memref<1x1x1x16x8x128xf32, #tpu.memory_space<hbm>>
      %dma_start3A_180 = tpu.memref_squeeze %dma_start3A_179 : memref<1x1x1x16x8x128xf32, #tpu.memory_space<hbm>> -> memref<16x8x128xf32, #tpu.memory_space<hbm>>
      tpu.enqueue_dma source(%arg8 : memref<16x8x128xf32, #tpu.memory_space<vmem>>) target(%dma_start3A_180 : memref<16x8x128xf32, #tpu.memory_space<hbm>>) target_semaphore(%arg10 : memref<!tpu.dma_semaphore, #tpu.memory_space<semaphore_mem>>)
    }
    %scan3A_37 = arith.constant 64 : i32
    %dma_wait3A = arith.constant 0 : i32
    %dma_wait3A_38 = arith.constant 0 : i32
    %dma_wait3A_39 = arith.constant 0 : i32
    %dma_wait3A_40 = arith.constant 0 : i32
    %dma_wait3A_41 = arith.constant 0 : i32
    %dma_wait3A_42 = tpu.memref_slice %arg4[%select_n3A, %dma_wait3A, %dma_wait3A_38, %dma_wait3A_39, %dma_wait3A_40, %dma_wait3A_41] : memref<16x32x4x32x8x128xf32, #tpu.memory_space<hbm>> -> memref<1x1x1x16x8x128xf32, #tpu.memory_space<hbm>>
    %dma_wait3A_43 = tpu.memref_squeeze %dma_wait3A_42 : memref<1x1x1x16x8x128xf32, #tpu.memory_space<hbm>> -> memref<16x8x128xf32, #tpu.memory_space<hbm>>
    %dma_wait3A_44 = arith.constant 0 : i32
    %dma_wait3A_45 = arith.constant 0 : i32
    %dma_wait3A_46 = arith.constant 0 : i32
    %dma_wait3A_47 = tpu.memref_slice %arg4[%select_n3A, %dma_wait3A, %dma_wait3A_38, %dma_wait3A_44, %dma_wait3A_45, %dma_wait3A_46] : memref<16x32x4x32x8x128xf32, #tpu.memory_space<hbm>> -> memref<1x1x1x16x8x128xf32, #tpu.memory_space<hbm>>
    %dma_wait3A_48 = tpu.memref_squeeze %dma_wait3A_47 : memref<1x1x1x16x8x128xf32, #tpu.memory_space<hbm>> -> memref<16x8x128xf32, #tpu.memory_space<hbm>>
    tpu.wait_dma2 semaphore(%arg9 : memref<!tpu.dma_semaphore, #tpu.memory_space<semaphore_mem>>) src(%arg7 : memref<16x8x128xf32, #tpu.memory_space<vmem>>) dst(%dma_wait3A_48 : memref<16x8x128xf32, #tpu.memory_space<hbm>>)
    %dma_wait3A_49 = arith.constant 0 : i32
    %dma_wait3A_50 = arith.constant 0 : i32
    %dma_wait3A_51 = arith.constant 0 : i32
    %dma_wait3A_52 = arith.constant 0 : i32
    %dma_wait3A_53 = arith.constant 0 : i32
    %dma_wait3A_54 = tpu.memref_slice %arg4[%select_n3A, %dma_wait3A_49, %dma_wait3A_50, %dma_wait3A_51, %dma_wait3A_52, %dma_wait3A_53] : memref<16x32x4x32x8x128xf32, #tpu.memory_space<hbm>> -> memref<1x1x1x16x8x128xf32, #tpu.memory_space<hbm>>
    %dma_wait3A_55 = tpu.memref_squeeze %dma_wait3A_54 : memref<1x1x1x16x8x128xf32, #tpu.memory_space<hbm>> -> memref<16x8x128xf32, #tpu.memory_space<hbm>>
    %dma_wait3A_56 = arith.constant 0 : i32
    %dma_wait3A_57 = arith.constant 0 : i32
    %dma_wait3A_58 = arith.constant 0 : i32
    %dma_wait3A_59 = tpu.memref_slice %arg4[%select_n3A, %dma_wait3A_49, %dma_wait3A_50, %dma_wait3A_56, %dma_wait3A_57, %dma_wait3A_58] : memref<16x32x4x32x8x128xf32, #tpu.memory_space<hbm>> -> memref<1x1x1x16x8x128xf32, #tpu.memory_space<hbm>>
    %dma_wait3A_60 = tpu.memref_squeeze %dma_wait3A_59 : memref<1x1x1x16x8x128xf32, #tpu.memory_space<hbm>> -> memref<16x8x128xf32, #tpu.memory_space<hbm>>
    tpu.wait_dma2 semaphore(%arg10 : memref<!tpu.dma_semaphore, #tpu.memory_space<semaphore_mem>>) src(%arg8 : memref<16x8x128xf32, #tpu.memory_space<vmem>>) dst(%dma_wait3A_60 : memref<16x8x128xf32, #tpu.memory_space<hbm>>)
    return
  }
}

</mosaic_0001>

<sc_bundles>
// kernel: kernel.3.cloned.1.call-start
scs
__scs_entry_jumppad:
0x0: {  	(pc) =	sbr.rel $0x88, $3  }
0x1: {  	(tag) =	ssettag $0x0;
	lr =	simm.s32 $0x1  }
0x2: {  	[smem:$0x3F9F] =	sst lr;
	_ =	strace $0xD0000000  }
0x3: {  	_ = 	snop  }
0x4: {  	_ = 	snop  }
0x5: {  	_ = 	snop  }
0x6: {  	_ = 	snop  }
0x7: {  	_ = 	snop  }
__scs_overlays_trampoline_lowered:
0x8: {  	[smem:$0x3FAE] =	sst s0  }
0x9: {  	[smem:$0x3FAF] =	sst s1  }
0xa: {  	[smem:$0x3FB0] =	sst s2  }
0xb: {  	[smem:$0x3FB1] =	sst s3  }
0xc: {  	[smem:$0x3FB2] =	sst s4  }
0xd: {  	[smem:$0x3FB3] =	sst s5  }
0xe: {  	[smem:$0x3FB4] =	sst s6  }
0xf: {  	[smem:$0x3FB5] =	sst s7  }
0x10: {  	[smem:$0x3FB6] =	sst s8  }
0x11: {  	[smem:$0x3FB7] =	sst s9;
	s0 =	simm.s32 @!p0 $0x0  }
0x12: {  	s1 =	sld [smem:$0x3F9D];
	s0 =	simm.s32 @p0 $0x1  }
0x13: {  	[smem:$0x3FB8] =	sst s0;
	s0 =	simm.s32 @!p1 $0x0  }
0x14: {  	s2 =	sld [smem:$0x3F9C];
	s0 =	simm.s32 @p1 $0x1  }
0x15: {  	[smem:$0x3FB9] =	sst s0;
	s0 =	simm.s32 @!p2 $0x0  }
0x16: {  	s3 =	sld [smem:$0x3FDB];
	s0 =	simm.s32 @p2 $0x1  }
0x17: {  	s4 =	simm.s32 $0x1BF5;
	[smem:$0x3FBB] =	sst s0  }
0x18: {  	s0 =	sld [smem:$0x3F9E];
	_ =	swait.ge [sflag:s4], $0x0  }
0x19: {  	s7 =	sld [smem:$0x3F9F]  }
0x1a: {  	s8 =	sadd.s32 $0xFFFFE003, lr  }
0x1b: {  	s9 =	sadd.s32 $0xFFFFFEF7, lr;
	s5 =	simm.s32 $0xFFFFFFFF;
	p2 =	slt.u32 s8, $0xFFFFF086  }
0x1c: {  	p1 =	slt.u32 s9, $0xF7A;
	s5 =	simm.s32 @!p2 $0x0  }
0x1d: {  	s5 =	simm.s32 @p1 $0x1;
	p0 =	seq.s32 s7, s2  }
0x1e: {  	s7 =	smul.u32 @!p0 $0xF7A, s2;
	p2 =	seq.s32 @!p0 s5, $0x0  }
0x1f: {  	s9 =	smul.u32 $0xF7A, s1;
	s8 =	simm.s32 @!p0 $0x1BF5;
	p2 =	por !p2, p0  }
0x20: {  	[sflag:s8] =	ssyncset.s32 @!p0 $0xFFFFF086;
	s6 =	sadd.s32 @!p0 s3, s7;
	s7 =	simm.s32 @!p0 $0x108  }
0x21: {  	s3 =	sadd.s32 s3, s9;
	s6 =	sadd.s32 @!p0 $0x88, s6;
	s7 =	simm.s32 @p2 $0x1082  }
0x22: {  	[simem:s7], [sflag:s8] =	dma.local @!p0 [hbm:s6], $0xF7A  }
0x23: {  	s9 =	sor.u32 $0xD0000000, s2;
	s6 =	simm.s32 $0x108;
	_ =	swait.ge @!p0 [sflag:s8], $0x0  }
0x24: {  	s3 =	sadd.s32 $0x88, s3;
	s6 =	simm.s32 @!p1 $0x1082;
	[sflag:s4] =	ssyncset.s32 $0xFFFFF086  }
0x25: {  	[simem:s6], [sflag:s4] =	dma.local [hbm:s3], $0xF7A  }
0x26: {  	[smem:$0x3F9F] =	sst s1;
	(tag) =	ssettag s2;
	_ =	strace s9  }
0x27: {  	s1 =	sld [smem:$0x3FAF]  }
0x28: {  	s2 =	sld [smem:$0x3FB0]  }
0x29: {  	s4 =	sld [smem:$0x3FB2]  }
0x2a: {  	p0 =	seq.s32 s5, $0x0;
	s5 =	sld [smem:$0x3FB3]  }
0x2b: {  	s6 =	sld [smem:$0x3FB4]  }
0x2c: {  	s7 =	sld [smem:$0x3FB5]  }
0x2d: {  	s3 =	simm.s32 $0x108;
	s8 =	sld [smem:$0x3FB6]  }
0x2e: {  	s3 =	simm.s32 @!p0 $0x1082;
	s9 =	sld [smem:$0x3FB7]  }
0x2f: {  	lr =	sadd.s32 s0, s3;
	s0 =	sld [smem:$0x3FAE]  }
0x30: {  	s3 =	sld [smem:$0x3FB1]  }
0x31: {  	[smem:$0x3FBA] =	sst s10  }
0x32: {  	s10 =	sld [smem:$0x3FB8];
	_ =	sdelay $0x3  }
0x33: {  	p0 =	seq.s32 s10, $0x1;
	s10 =	sld [smem:$0x3FBA];
	_ =	sdelay $0x3  }
0x34: {  	[smem:$0x3FBA] =	sst s10  }
0x35: {  	s10 =	sld [smem:$0x3FB9];
	_ =	sdelay $0x3  }
0x36: {  	p1 =	seq.s32 s10, $0x1;
	s10 =	sld [smem:$0x3FBA];
	_ =	sdelay $0x3  }
0x37: {  	[smem:$0x3FBA] =	sst s10  }
0x38: {  	s10 =	sld [smem:$0x3FBB]  }
0x39: {  	_ = 	snop;
	(pc) =	sbr.ind lr, $3  }
0x3a: {  	_ = 	snop  }
0x3b: {  	_ = 	snop  }
0x3c: {  	p2 =	seq.s32 s10, $0x1;
	s10 =	sld [smem:$0x3FBA]  }
0x3d: {  	_ =	shalt  }
0x3e: {  	_ =	shalt  }
0x3f: {  	_ =	shalt  }
0x40: {  	_ =	shalt  }
0x41: {  	_ =	shalt  }
0x42: {  	_ =	shalt  }
0x43: {  	_ =	shalt  }
0x44: {  	_ =	shalt  }
0x45: {  	_ =	shalt  }
0x46: {  	_ =	shalt  }
0x47: {  	_ =	shalt  }
0x48: {  	_ =	shalt  }
0x49: {  	_ =	shalt  }
0x4a: {  	_ =	shalt  }
0x4b: {  	_ =	shalt  }
0x4c: {  	_ =	shalt  }
0x4d: {  	_ =	shalt  }
0x4e: {  	_ =	shalt  }
0x4f: {  	_ =	shalt  }
0x50: {  	_ =	shalt  }
0x51: {  	_ =	shalt  }
0x52: {  	_ =	shalt  }
0x53: {  	_ =	shalt  }
0x54: {  	_ =	shalt  }
0x55: {  	_ =	shalt  }
0x56: {  	_ =	shalt  }
0x57: {  	_ =	shalt  }
0x58: {  	_ =	shalt  }
0x59: {  	_ =	shalt  }
0x5a: {  	_ =	shalt  }
0x5b: {  	_ =	shalt  }
0x5c: {  	_ =	shalt  }
0x5d: {  	_ =	shalt  }
0x5e: {  	_ =	shalt  }
0x5f: {  	_ =	shalt  }
0x60: {  	_ =	shalt  }
0x61: {  	_ =	shalt  }
0x62: {  	_ =	shalt  }
0x63: {  	_ =	shalt  }
0x64: {  	_ =	shalt  }
0x65: {  	_ =	shalt  }
0x66: {  	_ =	shalt  }
0x67: {  	_ =	shalt  }
0x68: {  	_ =	shalt  }
0x69: {  	_ =	shalt  }
0x6a: {  	_ =	shalt  }
0x6b: {  	_ =	shalt  }
0x6c: {  	_ =	shalt  }
0x6d: {  	_ =	shalt  }
0x6e: {  	_ =	shalt  }
0x6f: {  	_ =	shalt  }
0x70: {  	_ =	shalt  }
0x71: {  	_ =	shalt  }
0x72: {  	_ =	shalt  }
0x73: {  	_ =	shalt  }
0x74: {  	_ =	shalt  }
0x75: {  	_ =	shalt  }
0x76: {  	_ =	shalt  }
0x77: {  	_ =	shalt  }
0x78: {  	_ =	shalt  }
0x79: {  	_ =	shalt  }
0x7a: {  	_ =	shalt  }
0x7b: {  	_ =	shalt  }
0x7c: {  	_ =	shalt  }
0x7d: {  	_ =	shalt  }
0x7e: {  	_ =	shalt  }
0x7f: {  	_ =	shalt  }
0x80: {  	_ =	shalt  }
0x81: {  	_ =	shalt  }
0x82: {  	_ =	shalt  }
0x83: {  	_ =	shalt  }
0x84: {  	_ =	shalt  }
0x85: {  	_ =	shalt  }
0x86: {  	_ =	shalt  }
0x87: {  	_ =	shalt  }
.Lfunc_end0:
.L_simem_size_0:
called_computation_lowered:
.L_overlay_start_0:
0x88: {  	s2 =	sld [smem:$0x3FD9]  }
0x89: {  	s3 =	sld [smem:$0x3FFE];
	_ =	sdelay $0x1  }
0x8a: {  	s1 =	srdreg.scid  }
0x8b: {  	s0 =	sand.u32 $0x1, s1  }
0x8c: {  	s17 =	sshll.u32 s0, $0xA;
	s2 =	sadd.s32 s3, s2  }
0x8d: {  	s2 =	sadd.s32 s2, s17  }
0x8e: {  	[smem:$0x3FC6] =	sst s2  }
0x8f: {  	_ = 	snop  }
0x90: {  	s2 =	sld [smem:$0x3FC9]  }
0x91: {  	s18 =	sld [smem:$0x3FD0];
	(tm) =	ssettm $0x1  }
0x92: {  	s4 =	sld [smem:$0x3FFB];
	_ =	sdelay $0x3  }
0x93: {  	_ =	strace s4  }
0x94: {  	s4 =	sld [smem:$0x3FFC];
	_ =	sdelay $0x3  }
0x95: {  	_ =	strace s4  }
0x96: {  	s4 =	sld [smem:$0x3FFD];
	_ =	sdelay $0x3  }
0x97: {  	_ =	strace s4  }
0x98: {  	_ =	strace $0x8FFFFFFF  }
0x99: {  	s19 =	sld [smem:$0x3FDB];
	_ =	sdelay $0x1  }
0x9a: {  	s5 =	simm.s32 $_scs_section_size  }
0x9b: {  	s6 =	simm.s32 $_size__tile_overlayer_lowered;
	s7 =	simm.s32 $_tile_overlayer_lowered  }
0x9c: {  	s22 =	simm.s32 $0x1BFF;
	s21 =	sshll.u32 s7, $0x1;
	s4 =	sadd.s32 s5, s19  }
0x9d: {  	s8 =	simm.s32 $0x0;
	s20 =	sshll.u32 s6, $0x1;
	s6 =	sadd.s32 s21, s4  }
0x9e: {  	[timem:s8], [sflag:s22] =	dma.local [hbm:s6], s20  }
0x9f: {  	_ =	swait.ge [sflag:s22], s20  }
0xa0: {  	s5 =	ssub.s32 $0x0, s20;
	[sflag:s22] =	ssyncset.done $0x0  }
0xa1: {  	[sflag:s22] =	ssyncadd.s32 s5;
	_ =	sdelay $0x1  }
0xa2: {  	s23 =	simm.s32 $0x1B8B  }
0xa3: {  	_ =	swait.ge [sflag:s23], $0x1  }
0xa4: {  	[sflag:s23] =	ssyncset.done $0x0  }
0xa5: {  	s25 =	simm.s32 $0x1B8E;
	s24 =	sld [smem:$0x3FFE];
	[sflag:s23] =	ssyncadd.s32 $0xFFFFFFFF  }
0xa6: {  	s26 =	simm.s32 $execute0_lowered;
	[smem:$0x3FD2] =	sst s25  }
0xa7: {  	s6 =	sshll.u32 s26, $0x1;
	_ =	strace $0x80000046;
	[dreg:$0x1] =	wrdreg $0xFFFFFFFF  }
0xa8: {  	s28 =	simm.s32 $_size_execute0_lowered;
	s4 =	sadd.s32 s4, s6;
	[dreg:$0x0] =	wrdreg $0x0  }
0xa9: {  	s6 =	sshll.u32 s28, $0x1;
	[dreg:$0x2] =	wrdreg s4  }
0xaa: {  	[dreg:$0x3] =	wrdreg s6  }
0xab: {  	[dreg:$0x4] =	wrdreg $0xC0  }
0xac: {  	_ =	task [dreg:s8], $0x5FFFF  }
0xad: {  	[dreg:$0x1] =	wrdreg $0xFFFFFFFF  }
0xae: {  	[dreg:$0x0] =	wrdreg $0x60  }
0xaf: {  	[dreg:$0x2] =	wrdreg s2  }
0xb0: {  	[dreg:$0x3] =	wrdreg s24  }
0xb1: {  	[dreg:$0x4] =	wrdreg s18  }
0xb2: {  	[dreg:$0x5] =	wrdreg $0x9  }
0xb3: {  	_ =	task.clear_ibuf [dreg:s8], $0x6FFFF;
	_ =	strace $0x90000046  }
0xb4: {  	s29 =	simm.s32 $0x9;
	_ =	strace $0x80000048  }
0xb5: {  	_ =	swait.ge [sflag:s29], $0x1  }
0xb6: {  	[sflag:s29] =	ssyncadd.s32 $0xFFFFFFFF  }
0xb7: {  	_ =	strace $0x90000048  }
0xb8: {  	_ =	sfence  }
0xb9: {  	s30 =	sld [smem:$0x0];
	_ =	sdelay $0x2  }
0xba: {  	s31 =	sshll.u32 s1, $0xD;
	s1 =	sshrl.u32 s1, $0x2  }
0xbb: {  	s3 =	sand.u32 $0x4000, s31;
	s1 =	sadd.s32 s1, s30  }
0xbc: {  	s0 =	sor.u32 s3, s0;
	s1 =	sshll.u32 s1, $0x11  }
0xbd: {  	s0 =	sor.u32 s1, s0  }
0xbe: {  	s0 =	sadd.s32 $0x8F2B, s0  }
0xbf: {  	[sflag:s0] =	ssyncadd.remote.s32 $0x1  }
0xc0: {  	_ =	sfence.sel $0xFFFF  }
0xc1: {  	[dreg:$0x0] =	wrdreg $0xFFFFFFFF;
	(pc) =	sbr.abs _section_cstart, $3  }
0xc2: {  	[dreg:$0x1] =	wrdreg $0xFFFFFFFF  }
0xc3: {  	_ =	task.clear_ibuf [dreg:s8], $0x2FFFF;
	_ =	strace $0x9FFFFFFF  }
0xc4: {  	(tm) =	ssettm $0x7FFFFFFF  }
0xc5: {  	_ =	shalt  }
tec
execute0_lowered:
.L_overlay_start_1:
0x0: {  	(tag) =	ssettag $0x1  }
0x1: {  	s0 =	srdreg.scid  }
0x2: {  	s4 =	stileid.u32;
	s0 =	sand.u32 $0x1, s0  }
0x3: {  	s25 =	rddreg [dreg:$0x0];
	s1 =	sor.u32 s0, s4  }
0x4: {  	s5 =	rddreg [dreg:$0x1];
	p1 =	seq.s32 s0, $0x1;
	p0 =	seq.s32 s1, $0x0  }
0x5: {  	s3 =	simm.s32 $0x1;
	s2 =	rddreg [dreg:$0x2];
	p0 =	por !p0, !p1  }
0x6: {  	s11 =	simm.s32 $0x10000;
	s15 =	simm.s32 $0x14000;
	p0 =	por !p0, !p0  }
0x7: {  	s16 =	simm.s32 $0x18000;
	s8 =	ssub.s32 $0x2, s0;
	s3 =	simm.s32 @!p0 $0x0  }
0x8: {  	s29 =	sshll.u32 s0, $0xB;
	s0 =	sshll.u32 s0, $0xE;
	s6 =	ssub.s32 s4, s3  }
0x9: {  	s26 =	sshrl.u32 s8, $0x1;
	s4 =	sshll.u32 s6, $0xE;
	s7 =	sshll.u32 s6, $0x7  }
0xa: {  	s1 =	sadd.s32 s25, s29;
	s4 =	sand.u32 $0xFFFE0000, s4;
	s7 =	sand.u32 $0x380, s7  }
0xb: {  	s8 =	ssub.s32 s8, s26;
	s3 =	simm.s32 $0x0;
	s4 =	sor.u32 s7, s4  }
0xc: {  	s31 =	smax.u32 s8, $0x1;
	[smem:$0x7FF] =	sst s3;
	s7 =	sshrl.u32 s4, $0x3  }
0xd: {  	_ =	strace $0x80000047;
	[dreg:$0x5] =	wrdreg s1;
	s5 =	sadd.s32 s7, s5  }
0xe: {  	s30 =	sshll.u32 s6, $0x16;
	[dreg:$0x6] =	wrdreg s31;
	s28 =	sadd.s32 $0x400, s5  }
0xf: {  	s4 =	simm.s32 $0x0;
	s7 =	sor.u32 s0, s30;
	[dreg:$0x4] =	wrdreg s28  }
.LBB2_1:
0x10: {  	[dreg:$0x7] =	wrdreg s4  }
0x11: {  	s0 =	rddreg [dreg:$0x4]  }
0x12: {  	s1 =	simm.s32 $0x80;
	s28 =	simm.s32 $0x400;
	s29 =	simm.s32 $0x3  }
0x13: {  	[tilespmem:s11], [sflag:$0x3] =	stream.strided.gather [hbm4b:s0+s1], $0x4000, s28, s1, $0x38;
	[tilespmem:$0x1C000] =	vst v63  }
0x14: {  	_ =	swait.ge [sflag:s29], $0x4000  }
0x15: {  	s31 =	simm.s32 $0x4000;
	[sflag:s29] =	ssyncset.done $0x0  }
0x16: {  	s5 =	simm.s32 $0x8000;
	s30 =	rddreg [dreg:$0x5];
	[sflag:s29] =	ssyncadd.s32 $0xFFFFC000  }
0x17: {  	[tilespmem:s3], [sflag:$0x3] =	stream.strided.gather [hbm4b:s30+s31], $0x10000, s5, s31, $0x38;
	[tilespmem:$0x1C000] =	vst v63  }
0x18: {  	_ =	swait.ge [sflag:s29], $0x10000  }
0x19: {  	[sflag:s29] =	ssyncset.done $0x0  }
0x1a: {  	s19 =	simm.s32 $0x0;
	[sflag:s29] =	ssyncadd.s32 $0xFFFF0000  }
.LBB2_2:
0x1b: {  	s22 =	sshrl.u32 s19, $0x1  }
0x1c: {  	s0 =	sshll.u32 s22, $0x7  }
0x1d: {  	s0 =	sand.u32 $0x380, s0  }
0x1e: {  	p0 =	seq.s32 s19, $0x0;
	s5 =	simm.s32 $0x0;
	v0 =	vmov s0  }
0x1f: {  	s1 =	simm.s32 @!p0 $0x1;
	s17 =	sshll.u32 s22, $0xB;
	s6 =	sand.u32 $0x40, s5  }
0x20: {  	s5 =	sand.u32 $0x3C00, s5;
	_ =	swait.ge @!p0 [sflag:s1], $0x4000;
	s20 =	sand.u32 $0xC000, s17  }
0x21: {  	s9 =	sor.u32 $0x10, s6;
	[sflag:s1] =	ssyncset.done @!p0 $0x0;
	s8 =	sadd.s32 s5, s20  }
0x22: {  	s21 =	sor.u32 $0x20, s6;
	[sflag:s1] =	ssyncadd.s32 @!p0 $0xFFFFC000;
	s18 =	sadd.s32 s9, s8  }
0x23: {  	s13 =	sor.u32 $0x30, s6;
	s10 =	sadd.s32 s21, s8;
	v1 =	vld.idx.msk [tilespmem:v0+s18+$0x0 ss:$0x1], $0xffff  }
0x24: {  	s24 =	sshll.u32 s19, $0x1;
	s14 =	sadd.s32 s13, s8;
	v3 =	vld.idx.msk [tilespmem:v0+s10+$0x0 ss:$0x1], $0xffff  }
0x25: {  	s23 =	sand.u32 $0x2, s24;
	v2 =	vld.idx.msk [tilespmem:v0+s14+$0x0 ss:$0x1], $0xffff  }
0x26: {  	s0 =	sshll.u32 s23, $0xC;
	s8 =	sadd.s32 s6, s8  }
0x27: {  	v9 =	vmov s0;
	v4 =	vld.idx.msk [tilespmem:v0+s8+$0x0 ss:$0x1], $0xffff  }
0x28: {  	v5 =	vadd.s32 v9, v1  }
0x29: {  	v6 =	vadd.s32 v9, v3  }
0x2a: {  	v7 =	vadd.s32 v9, v2;
	_ =	sdelay $0x1  }
0x2b: {  	s25 =	sor.u32 $0x200, s0;
	v8 =	vadd.s32 v9, v4  }
0x2c: {  	v10 =	vmov s25;
	v5 =	vld.idx.msk [tilespmem:v5+s11+$0x0], $0xffff  }
0x2d: {  	v12 =	vadd.s32 v10, v1;
	v6 =	vld.idx.msk [tilespmem:v6+s11+$0x0], $0xffff  }
0x2e: {  	v13 =	vadd.s32 v10, v3;
	v7 =	vld.idx.msk [tilespmem:v7+s11+$0x0], $0xffff  }
0x2f: {  	s5 =	sor.u32 $0x14000, s5;
	v14 =	vadd.s32 v10, v2  }
0x30: {  	s24 =	sor.u32 s9, s5;
	s26 =	sor.u32 $0x400, s0;
	v8 =	vld.idx.msk [tilespmem:v8+s11+$0x0], $0xffff  }
0x31: {  	v11 =	vmov s26;
	s26 =	sor.u32 s21, s5;
	[tilespmem:s24+$0x0] =	vst v5;
	v5 =	vadd.s32 v10, v4  }
0x32: {  	s25 =	sor.u32 s13, s5;
	[tilespmem:s26+$0x0] =	vst v6;
	v12 =	vld.idx.msk [tilespmem:v12+s11+$0x0], $0xffff  }
0x33: {  	s4 =	simm.s32 $0x200;
	s28 =	sor.u32 s6, s5;
	s6 =	simm.s32 $0x40;
	v6 =	vadd.s32 v11, v1;
	[tilespmem:s25+$0x0] =	vst v7;
	v13 =	vld.idx.msk [tilespmem:v13+s11+$0x0], $0xffff  }
0x34: {  	s1 =	sand.u32 $0x40, s6;
	s5 =	sand.u32 $0x3C00, s4;
	v7 =	vld.idx.msk [tilespmem:v14+s11+$0x0], $0xffff;
	v14 =	vadd.s32 v11, v3  }
0x35: {  	s9 =	sadd.s32 s5, s20;
	s13 =	sor.u32 $0x10, s1;
	[tilespmem:s28+$0x0] =	vst v8;
	v8 =	vadd.s32 v11, v2  }
0x36: {  	s17 =	sadd.s32 s13, s9;
	v15 =	vld.idx.msk [tilespmem:v5+s11+$0x0], $0xffff  }
0x37: {  	v5 =	vld.idx.msk [tilespmem:v0+s17+$0x0 ss:$0x1], $0xffff;
	[tilespmem:s24+$0x80] =	vst v12  }
0x38: {  	s8 =	sor.u32 $0x600, s0;
	v16 =	vadd.s32 v11, v4;
	[tilespmem:s26+$0x80] =	vst v13;
	v6 =	vld.idx.msk [tilespmem:v6+s11+$0x0], $0xffff  }
0x39: {  	s18 =	sor.u32 $0x20, s1;
	v12 =	vmov s8;
	[tilespmem:s25+$0x80] =	vst v7;
	v14 =	vld.idx.msk [tilespmem:v14+s11+$0x0], $0xffff  }
0x3a: {  	s21 =	sadd.s32 s18, s9;
	v17 =	vadd.s32 v12, v1;
	v18 =	vld.idx.msk [tilespmem:v8+s11+$0x0], $0xffff  }
0x3b: {  	s8 =	sadd.s32 s1, s9;
	v8 =	vld.idx.msk [tilespmem:v0+s21+$0x0 ss:$0x1], $0xffff  }
0x3c: {  	s12 =	sor.u32 $0x30, s1;
	v7 =	vld.idx.msk [tilespmem:v0+s8+$0x0 ss:$0x1], $0xffff;
	[tilespmem:s28+$0x80] =	vst v15;
	v15 =	vadd.s32 v12, v3  }
0x3d: {  	s14 =	sadd.s32 s12, s9;
	v19 =	vadd.s32 v12, v2;
	v16 =	vld.idx.msk [tilespmem:v16+s11+$0x0], $0xffff;
	[tilespmem:s24+$0x100] =	vst v6  }
0x3e: {  	v6 =	vld.idx.msk [tilespmem:v0+s14+$0x0 ss:$0x1], $0xffff;
	[tilespmem:s26+$0x100] =	vst v14;
	v14 =	vadd.s32 v9, v5  }
0x3f: {  	s4 =	sor.u32 $0x800, s0;
	v20 =	vadd.s32 v12, v4;
	v17 =	vld.idx.msk [tilespmem:v17+s11+$0x0], $0xffff  }
0x40: {  	v13 =	vmov s4;
	[tilespmem:s25+$0x100] =	vst v18;
	v18 =	vadd.s32 v9, v8  }
0x41: {  	v21 =	vadd.s32 v13, v1;
	v15 =	vld.idx.msk [tilespmem:v15+s11+$0x0], $0xffff  }
0x42: {  	v23 =	vadd.s32 v9, v7;
	[tilespmem:s28+$0x100] =	vst v16;
	v16 =	vld.idx.msk [tilespmem:v19+s11+$0x0], $0xffff  }
0x43: {  	v22 =	vadd.s32 v9, v6;
	v14 =	vld.idx.msk [tilespmem:v14+s11+$0x0], $0xffff  }
0x44: {  	[tilespmem:s24+$0x180] =	vst v17;
	v17 =	vld.idx.msk [tilespmem:v20+s11+$0x0], $0xffff;
	v20 =	vadd.s32 v13, v2  }
0x45: {  	v19 =	vadd.s32 v13, v3;
	v25 =	vld.idx.msk [tilespmem:v18+s11+$0x0], $0xffff  }
0x46: {  	s17 =	sor.u32 $0xA00, s0;
	v18 =	vadd.s32 v13, v4;
	v21 =	vld.idx.msk [tilespmem:v21+s11+$0x0], $0xffff;
	[tilespmem:s26+$0x180] =	vst v15  }
0x47: {  	s5 =	sor.u32 $0x14000, s5;
	v30 =	vld.idx.msk [tilespmem:v23+s11+$0x0], $0xffff;
	v15 =	vmov s17;
	[tilespmem:s25+$0x180] =	vst v16;
	v16 =	vadd.s32 v10, v5  }
0x48: {  	s29 =	sor.u32 s13, s5;
	v26 =	vadd.s32 v15, v1;
	v29 =	vld.idx.msk [tilespmem:v22+s11+$0x0], $0xffff  }
0x49: {  	[tilespmem:s29+$0x0] =	vst v14;
	v28 =	vld.idx.msk [tilespmem:v20+s11+$0x0], $0xffff;
	v20 =	vadd.s32 v10, v8  }
0x4a: {  	v31 =	vadd.s32 v10, v6;
	v19 =	vld.idx.msk [tilespmem:v19+s11+$0x0], $0xffff;
	[tilespmem:s28+$0x180] =	vst v17  }
0x4b: {  	s30 =	sor.u32 s18, s5;
	[tilespmem:s24+$0x200] =	vst v21;
	v21 =	vadd.s32 v15, v2;
	v24 =	vld.idx.msk [tilespmem:v18+s11+$0x0], $0xffff  }
0x4c: {  	s1 =	sor.u32 s1, s5;
	v27 =	vadd.s32 v10, v7;
	[tilespmem:s30+$0x0] =	vst v25;
	v18 =	vld.idx.msk [tilespmem:v16+s11+$0x0], $0xffff  }
0x4d: {  	s31 =	sor.u32 s12, s5;
	v23 =	vadd.s32 v15, v4;
	[tilespmem:s1+$0x0] =	vst v30;
	v17 =	vld.idx.msk [tilespmem:v26+s11+$0x0], $0xffff  }
0x4e: {  	s18 =	sor.u32 $0xC00, s0;
	v22 =	vadd.s32 v15, v3;
	[tilespmem:s31+$0x0] =	vst v29;
	v20 =	vld.idx.msk [tilespmem:v20+s11+$0x0], $0xffff  }
0x4f: {  	s10 =	simm.s32 $0x80;
	s0 =	sor.u32 $0xE00, s0;
	v16 =	vmov s18;
	v26 =	vadd.s32 v11, v5;
	[tilespmem:s25+$0x200] =	vst v28;
	v25 =	vld.idx.msk [tilespmem:v31+s11+$0x0], $0xffff  }
0x50: {  	s9 =	simm.s32 $0x400;
	s21 =	sor.u32 $0x1, s23;
	v14 =	vmov s0;
	s0 =	simm.s32 $0x4;
	[tilespmem:s26+$0x200] =	vst v19;
	v19 =	vadd.s32 v16, v1;
	v21 =	vld.idx.msk [tilespmem:v21+s11+$0x0], $0xffff  }
.LBB2_3:
0x51: {  	s13 =	sand.u32 $0x40, s10;
	s14 =	sand.u32 $0x3C00, s9;
	s0 =	sadd.s32 $0x4, s0;
	v27 =	vld.idx.msk [tilespmem:v27+s11+$0x0], $0xffff;
	[tilespmem:s28+$0x200] =	vst v24  }
0x52: {  	s4 =	sadd.s32 s14, s20;
	s8 =	sor.u32 $0x10, s13;
	s6 =	sor.u32 $0x20, s13;
	[tilespmem:s29+$0x80] =	vst v18;
	v18 =	vadd.s32 v11, v8;
	v23 =	vld.idx.msk [tilespmem:v23+s11+$0x0], $0xffff  }
0x53: {  	s5 =	sor.u32 $0x30, s13;
	s17 =	sadd.s32 s13, s4;
	s12 =	sadd.s32 s6, s4;
	[tilespmem:s24+$0x280] =	vst v17;
	v17 =	vld.idx.msk [tilespmem:v22+s11+$0x0], $0xffff  }
0x54: {  	s14 =	sor.u32 $0x14000, s14;
	s18 =	sadd.s32 s8, s4;
	s4 =	sadd.s32 s5, s4;
	v22 =	vld.idx.msk [tilespmem:v26+s11+$0x0], $0xffff;
	[tilespmem:s30+$0x80] =	vst v20;
	v20 =	vadd.s32 v11, v6  }
0x55: {  	v24 =	vadd.s32 v16, v4;
	p1 =	slt.u32 s0, $0x7C;
	v19 =	vld.idx.msk [tilespmem:v19+s11+$0x0], $0xffff;
	[tilespmem:s25+$0x280] =	vst v21  }
0x56: {  	v21 =	vld.idx.msk [tilespmem:v0+s18+$0x0 ss:$0x1], $0xffff;
	[tilespmem:s31+$0x80] =	vst v25;
	v25 =	vadd.s32 v16, v3  }
0x57: {  	v18 =	vld.idx.msk [tilespmem:v18+s11+$0x0], $0xffff  }
0x58: {  	v26 =	vld.idx.msk [tilespmem:v0+s4+$0x0 ss:$0x1], $0xffff;
	[tilespmem:s28+$0x280] =	vst v23  }
0x59: {  	v23 =	vadd.s32 v11, v7;
	v20 =	vld.idx.msk [tilespmem:v20+s11+$0x0], $0xffff;
	[tilespmem:s26+$0x280] =	vst v17  }
0x5a: {  	v17 =	vadd.s32 v12, v5;
	[tilespmem:s1+$0x80] =	vst v27;
	v24 =	vld.idx.msk [tilespmem:v24+s11+$0x0], $0xffff;
	v27 =	vadd.s32 v16, v2  }
0x5b: {  	[tilespmem:s29+$0x100] =	vst v22;
	v22 =	vld.idx.msk [tilespmem:v25+s11+$0x0], $0xffff  }
0x5c: {  	v28 =	vadd.s32 v14, v4;
	v4 =	vmov v7;
	v25 =	vld.idx.msk [tilespmem:v0+s12+$0x0 ss:$0x1], $0xffff;
	[tilespmem:s24+$0x300] =	vst v19  }
0x5d: {  	v19 =	vadd.s32 v12, v8;
	v7 =	vld.idx.msk [tilespmem:v0+s17+$0x0 ss:$0x1], $0xffff  }
0x5e: {  	v29 =	vadd.s32 v14, v3;
	v3 =	vmov v8;
	v23 =	vld.idx.msk [tilespmem:v23+s11+$0x0], $0xffff  }
0x5f: {  	v30 =	vadd.s32 v14, v1;
	v1 =	vmov v5;
	v17 =	vld.idx.msk [tilespmem:v17+s11+$0x0], $0xffff;
	[tilespmem:s31+$0x100] =	vst v20;
	v20 =	vadd.s32 v12, v6  }
0x60: {  	v5 =	vmov v21;
	v31 =	vadd.s32 v9, v26;
	[tilespmem:s28+$0x300] =	vst v24;
	v24 =	vld.idx.msk [tilespmem:v27+s11+$0x0], $0xffff;
	v27 =	vadd.s32 v14, v2  }
0x61: {  	v21 =	vadd.s32 v12, v4;
	v2 =	vmov v6;
	v6 =	vmov v26;
	[tilespmem:s30+$0x100] =	vst v18;
	v18 =	vld.idx.msk [tilespmem:v28+s11+$0x0], $0xffff  }
0x62: {  	v26 =	vadd.s32 v9, v5;
	v8 =	vmov v25;
	v19 =	vld.idx.msk [tilespmem:v19+s11+$0x0], $0xffff;
	[tilespmem:s26+$0x300] =	vst v22  }
0x63: {  	v22 =	vadd.s32 v13, v1;
	v25 =	vld.idx.msk [tilespmem:v29+s11+$0x0], $0xffff  }
0x64: {  	[tilespmem:s1+$0x100] =	vst v23;
	v20 =	vld.idx.msk [tilespmem:v20+s11+$0x0], $0xffff  }
0x65: {  	v23 =	vadd.s32 v9, v8;
	[tilespmem:s29+$0x180] =	vst v17;
	v17 =	vld.idx.msk [tilespmem:v30+s11+$0x0], $0xffff  }
0x66: {  	v28 =	vadd.s32 v13, v3;
	v21 =	vld.idx.msk [tilespmem:v21+s11+$0x0], $0xffff;
	[tilespmem:s25+$0x300] =	vst v24  }
0x67: {  	v24 =	vadd.s32 v13, v2;
	[tilespmem:s28+$0x380] =	vst v18;
	v18 =	vld.idx.msk [tilespmem:v27+s11+$0x0], $0xffff;
	s28 =	smov.u32 s1  }
0x68: {  	v22 =	vld.idx.msk [tilespmem:v22+s11+$0x0], $0xffff;
	[tilespmem:s30+$0x180] =	vst v19  }
0x69: {  	v19 =	vadd.s32 v9, v7;
	v26 =	vld.idx.msk [tilespmem:v26+s11+$0x0], $0xffff;
	[tilespmem:s26+$0x380] =	vst v25;
	s26 =	smov.u32 s30  }
0x6a: {  	v25 =	vadd.s32 v13, v4;
	v23 =	vld.idx.msk [tilespmem:v23+s11+$0x0], $0xffff;
	[tilespmem:s31+$0x180] =	vst v20  }
0x6b: {  	v20 =	vadd.s32 v10, v5;
	v28 =	vld.idx.msk [tilespmem:v28+s11+$0x0], $0xffff;
	[tilespmem:s24+$0x380] =	vst v17;
	s24 =	smov.u32 s29  }
0x6c: {  	v17 =	vadd.s32 v15, v1;
	[tilespmem:s28+$0x180] =	vst v21;
	v21 =	vld.idx.msk [tilespmem:v24+s11+$0x0], $0xffff  }
0x6d: {  	v29 =	vadd.s32 v10, v8;
	v30 =	vld.idx.msk [tilespmem:v31+s11+$0x0], $0xffff;
	[tilespmem:s25+$0x380] =	vst v18;
	s25 =	smov.u32 s31  }
0x6e: {  	s29 =	sor.u32 s8, s14;
	v31 =	vadd.s32 v15, v2;
	v19 =	vld.idx.msk [tilespmem:v19+s11+$0x0], $0xffff;
	[tilespmem:s24+$0x200] =	vst v22  }
0x6f: {  	v32 =	vadd.s32 v10, v6;
	s30 =	sor.u32 s6, s14;
	[tilespmem:s29+$0x0] =	vst v26;
	v24 =	vld.idx.msk [tilespmem:v25+s11+$0x0], $0xffff  }
.Ltmp0:
0x70: {  	v27 =	vadd.s32 v10, v7;
	v18 =	vld.idx.msk [tilespmem:v20+s11+$0x0], $0xffff;
	[tilespmem:s30+$0x0] =	vst v23;
	(pc) =	sbr.rel @p1 .LBB2_3-.Ltmp0, $4  }
0x71: {  	v23 =	vadd.s32 v15, v4;
	v17 =	vld.idx.msk [tilespmem:v17+s11+$0x0], $0xffff;
	[tilespmem:s26+$0x200] =	vst v28  }
0x72: {  	s31 =	sor.u32 s5, s14;
	v22 =	vadd.s32 v15, v3;
	v20 =	vld.idx.msk [tilespmem:v29+s11+$0x0], $0xffff;
	[tilespmem:s25+$0x200] =	vst v21  }
0x73: {  	s1 =	sor.u32 s13, s14;
	v26 =	vadd.s32 v11, v5;
	[tilespmem:s31+$0x0] =	vst v30;
	v21 =	vld.idx.msk [tilespmem:v31+s11+$0x0], $0xffff  }
0x74: {  	s9 =	sadd.s32 $0x200, s9;
	s10 =	sadd.s32 $0x40, s10;
	[tilespmem:s1+$0x0] =	vst v19;
	v25 =	vld.idx.msk [tilespmem:v32+s11+$0x0], $0xffff;
	v19 =	vadd.s32 v16, v1  }
0x75: {  	_ =	sdelay $0x3  }
0x76: {  	v9 =	vld.idx.msk [tilespmem:v27+s11+$0x0], $0xffff  }
0x77: {  	v10 =	vadd.s32 v11, v7  }
0x78: {  	v27 =	vadd.s32 v11, v8;
	_ =	sdelay $0x1  }
0x79: {  	[tilespmem:s28+$0x200] =	vst v24;
	v11 =	vadd.s32 v11, v6  }
0x7a: {  	[tilespmem:s1+$0x80] =	vst v9  }
0x7b: {  	[tilespmem:s30+$0x80] =	vst v20;
	v9 =	vld.idx.msk [tilespmem:v10+s11+$0x0], $0xffff  }
0x7c: {  	[tilespmem:s29+$0x80] =	vst v18;
	v18 =	vadd.s32 v12, v7;
	v10 =	vld.idx.msk [tilespmem:v27+s11+$0x0], $0xffff  }
0x7d: {  	v24 =	vadd.s32 v12, v8;
	v20 =	vld.idx.msk [tilespmem:v26+s11+$0x0], $0xffff;
	[tilespmem:s31+$0x80] =	vst v25  }
0x7e: {  	[tilespmem:s24+$0x280] =	vst v17;
	v17 =	vadd.s32 v12, v5;
	v11 =	vld.idx.msk [tilespmem:v11+s11+$0x0], $0xffff  }
0x7f: {  	v23 =	vld.idx.msk [tilespmem:v23+s11+$0x0], $0xffff;
	v12 =	vadd.s32 v12, v6;
	[tilespmem:s25+$0x280] =	vst v21  }
0x80: {  	v21 =	vld.idx.msk [tilespmem:v22+s11+$0x0], $0xffff;
	[tilespmem:s1+$0x100] =	vst v9  }
0x81: {  	v9 =	vadd.s32 v16, v4;
	[tilespmem:s30+$0x100] =	vst v10;
	v10 =	vld.idx.msk [tilespmem:v18+s11+$0x0], $0xffff  }
0x82: {  	[tilespmem:s29+$0x100] =	vst v20;
	v20 =	vadd.s32 v13, v7;
	v18 =	vld.idx.msk [tilespmem:v24+s11+$0x0], $0xffff  }
0x83: {  	v17 =	vld.idx.msk [tilespmem:v17+s11+$0x0], $0xffff;
	[tilespmem:s31+$0x100] =	vst v11;
	v11 =	vadd.s32 v13, v8  }
0x84: {  	v22 =	vadd.s32 v13, v5;
	[tilespmem:s28+$0x280] =	vst v23;
	v12 =	vld.idx.msk [tilespmem:v12+s11+$0x0], $0xffff  }
0x85: {  	v19 =	vld.idx.msk [tilespmem:v19+s11+$0x0], $0xffff;
	[tilespmem:s26+$0x280] =	vst v21;
	v13 =	vadd.s32 v13, v6  }
0x86: {  	v21 =	vadd.s32 v16, v3;
	v9 =	vld.idx.msk [tilespmem:v9+s11+$0x0], $0xffff;
	[tilespmem:s1+$0x180] =	vst v10  }
0x87: {  	v10 =	vadd.s32 v16, v2;
	[tilespmem:s30+$0x180] =	vst v18;
	v18 =	vld.idx.msk [tilespmem:v20+s11+$0x0], $0xffff  }
0x88: {  	[tilespmem:s29+$0x180] =	vst v17;
	v17 =	vadd.s32 v15, v7;
	v11 =	vld.idx.msk [tilespmem:v11+s11+$0x0], $0xffff  }
0x89: {  	[tilespmem:s31+$0x180] =	vst v12;
	v12 =	vadd.s32 v15, v8;
	v20 =	vld.idx.msk [tilespmem:v22+s11+$0x0], $0xffff  }
0x8a: {  	[tilespmem:s24+$0x300] =	vst v19;
	v19 =	vadd.s32 v15, v5;
	v13 =	vld.idx.msk [tilespmem:v13+s11+$0x0], $0xffff  }
0x8b: {  	v21 =	vld.idx.msk [tilespmem:v21+s11+$0x0], $0xffff;
	[tilespmem:s28+$0x300] =	vst v9;
	v9 =	vadd.s32 v15, v6  }
0x8c: {  	v4 =	vadd.s32 v14, v4;
	v10 =	vld.idx.msk [tilespmem:v10+s11+$0x0], $0xffff;
	[tilespmem:s1+$0x200] =	vst v18  }
0x8d: {  	v3 =	vadd.s32 v14, v3;
	[tilespmem:s30+$0x200] =	vst v11;
	v11 =	vld.idx.msk [tilespmem:v17+s11+$0x0], $0xffff  }
0x8e: {  	v15 =	vadd.s32 v16, v7;
	[tilespmem:s29+$0x200] =	vst v20;
	v12 =	vld.idx.msk [tilespmem:v12+s11+$0x0], $0xffff  }
0x8f: {  	[tilespmem:s31+$0x200] =	vst v13;
	v13 =	vadd.s32 v16, v8;
	v17 =	vld.idx.msk [tilespmem:v19+s11+$0x0], $0xffff  }
0x90: {  	[tilespmem:s26+$0x300] =	vst v21;
	v18 =	vadd.s32 v16, v5;
	v9 =	vld.idx.msk [tilespmem:v9+s11+$0x0], $0xffff  }
0x91: {  	v4 =	vld.idx.msk [tilespmem:v4+s11+$0x0], $0xffff;
	[tilespmem:s25+$0x300] =	vst v10;
	v10 =	vadd.s32 v16, v6  }
0x92: {  	v1 =	vadd.s32 v14, v1;
	v3 =	vld.idx.msk [tilespmem:v3+s11+$0x0], $0xffff;
	[tilespmem:s1+$0x280] =	vst v11  }
0x93: {  	v2 =	vadd.s32 v14, v2;
	[tilespmem:s30+$0x280] =	vst v12;
	v11 =	vld.idx.msk [tilespmem:v15+s11+$0x0], $0xffff  }
0x94: {  	v7 =	vadd.s32 v14, v7;
	[tilespmem:s29+$0x280] =	vst v17;
	v12 =	vld.idx.msk [tilespmem:v13+s11+$0x0], $0xffff  }
0x95: {  	v8 =	vadd.s32 v14, v8;
	v13 =	vld.idx.msk [tilespmem:v18+s11+$0x0], $0xffff;
	[tilespmem:s31+$0x280] =	vst v9  }
0x96: {  	[tilespmem:s28+$0x380] =	vst v4;
	v4 =	vadd.s32 v14, v5;
	v5 =	vld.idx.msk [tilespmem:v10+s11+$0x0], $0xffff  }
0x97: {  	v1 =	vld.idx.msk [tilespmem:v1+s11+$0x0], $0xffff;
	[tilespmem:s26+$0x380] =	vst v3;
	v3 =	vadd.s32 v14, v6  }
0x98: {  	v2 =	vld.idx.msk [tilespmem:v2+s11+$0x0], $0xffff;
	[tilespmem:s1+$0x300] =	vst v11  }
0x99: {  	[tilespmem:s30+$0x300] =	vst v12;
	v6 =	vld.idx.msk [tilespmem:v7+s11+$0x0], $0xffff  }
0x9a: {  	[tilespmem:s29+$0x300] =	vst v13;
	v7 =	vld.idx.msk [tilespmem:v8+s11+$0x0], $0xffff  }
0x9b: {  	v4 =	vld.idx.msk [tilespmem:v4+s11+$0x0], $0xffff;
	[tilespmem:s31+$0x300] =	vst v5  }
0x9c: {  	[tilespmem:s24+$0x380] =	vst v1;
	v1 =	vld.idx.msk [tilespmem:v3+s11+$0x0], $0xffff  }
0x9d: {  	s22 =	sshll.u32 s22, $0x11;
	s0 =	sshll.u32 s23, $0xF;
	[tilespmem:s25+$0x380] =	vst v2  }
0x9e: {  	s0 =	sor.u32 s22, s0;
	[tilespmem:s1+$0x380] =	vst v6  }
0x9f: {  	s0 =	sadd.s32 s7, s0;
	[tilespmem:s30+$0x380] =	vst v7  }
0xa0: {  	s0 =	sshrl.u32 s0, $0x3;
	[tilespmem:s29+$0x380] =	vst v4  }
0xa1: {  	s0 =	sadd.s32 s2, s0;
	[tilespmem:s31+$0x380] =	vst v1  }
0xa2: {  	[hbm4b:s0+s3] =	stream.linear.scatter [tilespmem:s15], [sflag:$0x1], $0x4000, $0x38;
	[tilespmem:$0x1C000] =	vst v63  }
0xa3: {  	s25 =	simm.s32 $0x0;
	s0 =	simm.s32 @!p0 $0x2  }
0xa4: {  	s4 =	sand.u32 $0x40, s25;
	s1 =	sand.u32 $0x3C00, s25;
	_ =	swait.ge @!p0 [sflag:s0], $0x4000  }
0xa5: {  	s6 =	sor.u32 $0x10, s4;
	s5 =	sadd.s32 s1, s20;
	[sflag:s0] =	ssyncset.done @!p0 $0x0  }
0xa6: {  	s8 =	sor.u32 $0x20, s4;
	s26 =	sadd.s32 s6, s5;
	[sflag:s0] =	ssyncadd.s32 @!p0 $0xFFFFC000  }
0xa7: {  	s9 =	sor.u32 $0x30, s4;
	s31 =	sadd.s32 s8, s5;
	v1 =	vld.idx.msk [tilespmem:v0+s26+$0x0 ss:$0x1], $0xffff  }
0xa8: {  	s10 =	sadd.s32 s9, s5;
	v3 =	vld.idx.msk [tilespmem:v0+s31+$0x0 ss:$0x1], $0xffff  }
0xa9: {  	v2 =	vld.idx.msk [tilespmem:v0+s10+$0x0 ss:$0x1], $0xffff  }
0xaa: {  	s5 =	sadd.s32 s4, s5;
	s0 =	sshll.u32 s21, $0xC  }
0xab: {  	v9 =	vmov s0;
	v4 =	vld.idx.msk [tilespmem:v0+s5+$0x0 ss:$0x1], $0xffff  }
0xac: {  	v5 =	vadd.s32 v9, v1  }
0xad: {  	v6 =	vadd.s32 v9, v3  }
0xae: {  	v7 =	vadd.s32 v9, v2;
	_ =	sdelay $0x1  }
0xaf: {  	s10 =	sor.u32 $0x200, s0;
	v8 =	vadd.s32 v9, v4  }
0xb0: {  	v10 =	vmov s10;
	v5 =	vld.idx.msk [tilespmem:v5+s11+$0x0], $0xffff  }
0xb1: {  	v12 =	vadd.s32 v10, v1;
	v6 =	vld.idx.msk [tilespmem:v6+s11+$0x0], $0xffff  }
0xb2: {  	v13 =	vadd.s32 v10, v3;
	v7 =	vld.idx.msk [tilespmem:v7+s11+$0x0], $0xffff  }
0xb3: {  	s1 =	sor.u32 $0x18000, s1;
	v14 =	vadd.s32 v10, v2  }
0xb4: {  	s23 =	sor.u32 s6, s1;
	v8 =	vld.idx.msk [tilespmem:v8+s11+$0x0], $0xffff  }
0xb5: {  	s25 =	sor.u32 s8, s1;
	s12 =	sor.u32 $0x400, s0;
	[tilespmem:s23+$0x0] =	vst v5;
	v5 =	vadd.s32 v10, v4  }
0xb6: {  	s24 =	sor.u32 s9, s1;
	v11 =	vmov s12;
	[tilespmem:s25+$0x0] =	vst v6;
	v12 =	vld.idx.msk [tilespmem:v12+s11+$0x0], $0xffff  }
0xb7: {  	s13 =	simm.s32 $0x200;
	s14 =	simm.s32 $0x40;
	v6 =	vadd.s32 v11, v1;
	[tilespmem:s24+$0x0] =	vst v7;
	v13 =	vld.idx.msk [tilespmem:v13+s11+$0x0], $0xffff  }
0xb8: {  	s26 =	sor.u32 s4, s1;
	s1 =	sand.u32 $0x40, s14;
	s4 =	sand.u32 $0x3C00, s13;
	v7 =	vld.idx.msk [tilespmem:v14+s11+$0x0], $0xffff;
	v14 =	vadd.s32 v11, v3  }
0xb9: {  	s18 =	sadd.s32 s4, s20;
	s31 =	sor.u32 $0x10, s1;
	[tilespmem:s26+$0x0] =	vst v8;
	v8 =	vadd.s32 v11, v2  }
0xba: {  	s9 =	sadd.s32 s31, s18;
	v15 =	vld.idx.msk [tilespmem:v5+s11+$0x0], $0xffff  }
0xbb: {  	v5 =	vld.idx.msk [tilespmem:v0+s9+$0x0 ss:$0x1], $0xffff;
	[tilespmem:s23+$0x80] =	vst v12  }
0xbc: {  	[tilespmem:s25+$0x80] =	vst v13;
	v6 =	vld.idx.msk [tilespmem:v6+s11+$0x0], $0xffff  }
0xbd: {  	s10 =	sor.u32 $0x20, s1;
	v16 =	vadd.s32 v11, v4;
	[tilespmem:s24+$0x80] =	vst v7;
	v14 =	vld.idx.msk [tilespmem:v14+s11+$0x0], $0xffff  }
0xbe: {  	s17 =	sor.u32 $0x600, s0;
	s12 =	sadd.s32 s10, s18;
	v18 =	vld.idx.msk [tilespmem:v8+s11+$0x0], $0xffff  }
0xbf: {  	v12 =	vmov s17;
	v8 =	vld.idx.msk [tilespmem:v0+s12+$0x0 ss:$0x1], $0xffff  }
0xc0: {  	s6 =	sadd.s32 s1, s18;
	v17 =	vadd.s32 v12, v1  }
0xc1: {  	v7 =	vld.idx.msk [tilespmem:v0+s6+$0x0 ss:$0x1], $0xffff;
	[tilespmem:s26+$0x80] =	vst v15;
	v15 =	vadd.s32 v12, v3  }
0xc2: {  	s14 =	sor.u32 $0x30, s1;
	v19 =	vadd.s32 v12, v2;
	v16 =	vld.idx.msk [tilespmem:v16+s11+$0x0], $0xffff;
	[tilespmem:s23+$0x100] =	vst v6  }
0xc3: {  	s17 =	sadd.s32 s14, s18;
	[tilespmem:s25+$0x100] =	vst v14;
	v14 =	vadd.s32 v9, v5  }
0xc4: {  	v6 =	vld.idx.msk [tilespmem:v0+s17+$0x0 ss:$0x1], $0xffff;
	[tilespmem:s24+$0x100] =	vst v18;
	v18 =	vadd.s32 v9, v8  }
0xc5: {  	s13 =	sor.u32 $0x800, s0;
	v20 =	vadd.s32 v12, v4;
	v17 =	vld.idx.msk [tilespmem:v17+s11+$0x0], $0xffff  }
0xc6: {  	v13 =	vmov s13;
	v23 =	vadd.s32 v9, v7;
	v15 =	vld.idx.msk [tilespmem:v15+s11+$0x0], $0xffff  }
0xc7: {  	v21 =	vadd.s32 v13, v1;
	[tilespmem:s26+$0x100] =	vst v16;
	v16 =	vld.idx.msk [tilespmem:v19+s11+$0x0], $0xffff  }
0xc8: {  	v19 =	vadd.s32 v13, v3;
	v14 =	vld.idx.msk [tilespmem:v14+s11+$0x0], $0xffff  }
0xc9: {  	v22 =	vadd.s32 v9, v6;
	v18 =	vld.idx.msk [tilespmem:v18+s11+$0x0], $0xffff  }
0xca: {  	[tilespmem:s23+$0x180] =	vst v17;
	v17 =	vld.idx.msk [tilespmem:v20+s11+$0x0], $0xffff;
	v20 =	vadd.s32 v13, v2  }
0xcb: {  	v28 =	vadd.s32 v10, v8;
	v30 =	vld.idx.msk [tilespmem:v23+s11+$0x0], $0xffff  }
0xcc: {  	s4 =	sor.u32 $0x18000, s4;
	s18 =	sor.u32 $0xA00, s0;
	v24 =	vadd.s32 v13, v4;
	v21 =	vld.idx.msk [tilespmem:v21+s11+$0x0], $0xffff;
	[tilespmem:s25+$0x180] =	vst v15  }
0xcd: {  	s28 =	sor.u32 s31, s4;
	v15 =	vmov s18;
	[tilespmem:s24+$0x180] =	vst v16;
	v16 =	vadd.s32 v10, v5;
	v25 =	vld.idx.msk [tilespmem:v19+s11+$0x0], $0xffff  }
0xce: {  	s29 =	sor.u32 s10, s4;
	v26 =	vadd.s32 v15, v1;
	v29 =	vld.idx.msk [tilespmem:v22+s11+$0x0], $0xffff;
	[tilespmem:s28+$0x0] =	vst v14  }
0xcf: {  	v32 =	vadd.s32 v10, v6;
	[tilespmem:s29+$0x0] =	vst v18;
	v20 =	vld.idx.msk [tilespmem:v20+s11+$0x0], $0xffff  }
0xd0: {  	v31 =	vadd.s32 v15, v2;
	[tilespmem:s26+$0x180] =	vst v17;
	v22 =	vld.idx.msk [tilespmem:v28+s11+$0x0], $0xffff  }
0xd1: {  	v27 =	vadd.s32 v10, v7;
	[tilespmem:s23+$0x200] =	vst v21;
	v24 =	vld.idx.msk [tilespmem:v24+s11+$0x0], $0xffff  }
0xd2: {  	s30 =	sor.u32 s14, s4;
	v23 =	vadd.s32 v15, v4;
	v19 =	vld.idx.msk [tilespmem:v16+s11+$0x0], $0xffff;
	[tilespmem:s25+$0x200] =	vst v25  }
0xd3: {  	s31 =	sor.u32 $0xC00, s0;
	v21 =	vadd.s32 v15, v3;
	v17 =	vld.idx.msk [tilespmem:v26+s11+$0x0], $0xffff;
	[tilespmem:s30+$0x0] =	vst v29  }
0xd4: {  	s1 =	sor.u32 s1, s4;
	s0 =	sor.u32 $0xE00, s0;
	v16 =	vmov s31;
	v26 =	vadd.s32 v11, v5;
	[tilespmem:s24+$0x200] =	vst v20;
	v25 =	vld.idx.msk [tilespmem:v32+s11+$0x0], $0xffff  }
0xd5: {  	s10 =	simm.s32 $0x80;
	s9 =	simm.s32 $0x400;
	[tilespmem:s1+$0x0] =	vst v30;
	v14 =	vmov s0;
	s0 =	simm.s32 $0x4;
	v18 =	vadd.s32 v16, v1;
	v20 =	vld.idx.msk [tilespmem:v31+s11+$0x0], $0xffff  }
.LBB2_5:
0xd6: {  	s13 =	sand.u32 $0x40, s10;
	s4 =	sand.u32 $0x3C00, s9;
	s0 =	sadd.s32 $0x4, s0;
	v27 =	vld.idx.msk [tilespmem:v27+s11+$0x0], $0xffff;
	[tilespmem:s26+$0x200] =	vst v24  }
0xd7: {  	s12 =	sadd.s32 s4, s20;
	s8 =	sor.u32 $0x10, s13;
	s6 =	sor.u32 $0x20, s13;
	[tilespmem:s28+$0x80] =	vst v19;
	v19 =	vadd.s32 v11, v8;
	v23 =	vld.idx.msk [tilespmem:v23+s11+$0x0], $0xffff  }
0xd8: {  	s14 =	sor.u32 $0x30, s13;
	s17 =	sadd.s32 s13, s12;
	s18 =	sadd.s32 s6, s12;
	[tilespmem:s23+$0x280] =	vst v17;
	v17 =	vld.idx.msk [tilespmem:v21+s11+$0x0], $0xffff  }
0xd9: {  	s5 =	sor.u32 $0x18000, s4;
	s4 =	sadd.s32 s8, s12;
	s12 =	sadd.s32 s14, s12;
	v21 =	vld.idx.msk [tilespmem:v26+s11+$0x0], $0xffff;
	[tilespmem:s29+$0x80] =	vst v22;
	v22 =	vadd.s32 v11, v6  }
0xda: {  	v24 =	vadd.s32 v16, v4;
	p0 =	slt.u32 s0, $0x7C;
	v18 =	vld.idx.msk [tilespmem:v18+s11+$0x0], $0xffff;
	[tilespmem:s24+$0x280] =	vst v20  }
0xdb: {  	v20 =	vld.idx.msk [tilespmem:v0+s4+$0x0 ss:$0x1], $0xffff;
	[tilespmem:s30+$0x80] =	vst v25;
	v25 =	vadd.s32 v16, v3  }
0xdc: {  	v19 =	vld.idx.msk [tilespmem:v19+s11+$0x0], $0xffff  }
0xdd: {  	v26 =	vld.idx.msk [tilespmem:v0+s12+$0x0 ss:$0x1], $0xffff;
	[tilespmem:s26+$0x280] =	vst v23  }
0xde: {  	v23 =	vadd.s32 v11, v7;
	v22 =	vld.idx.msk [tilespmem:v22+s11+$0x0], $0xffff;
	[tilespmem:s25+$0x280] =	vst v17  }
0xdf: {  	v17 =	vadd.s32 v12, v5;
	[tilespmem:s1+$0x80] =	vst v27;
	v24 =	vld.idx.msk [tilespmem:v24+s11+$0x0], $0xffff;
	v27 =	vadd.s32 v16, v2  }
0xe0: {  	[tilespmem:s28+$0x100] =	vst v21;
	v21 =	vld.idx.msk [tilespmem:v25+s11+$0x0], $0xffff  }
0xe1: {  	v28 =	vadd.s32 v14, v4;
	v4 =	vmov v7;
	v25 =	vld.idx.msk [tilespmem:v0+s18+$0x0 ss:$0x1], $0xffff;
	[tilespmem:s23+$0x300] =	vst v18  }
0xe2: {  	v18 =	vadd.s32 v12, v8;
	v7 =	vld.idx.msk [tilespmem:v0+s17+$0x0 ss:$0x1], $0xffff  }
0xe3: {  	v29 =	vadd.s32 v14, v3;
	v3 =	vmov v8;
	v23 =	vld.idx.msk [tilespmem:v23+s11+$0x0], $0xffff  }
0xe4: {  	v30 =	vadd.s32 v14, v1;
	v1 =	vmov v5;
	v17 =	vld.idx.msk [tilespmem:v17+s11+$0x0], $0xffff;
	[tilespmem:s30+$0x100] =	vst v22;
	v22 =	vadd.s32 v12, v6  }
0xe5: {  	v5 =	vmov v20;
	v31 =	vadd.s32 v9, v26;
	[tilespmem:s26+$0x300] =	vst v24;
	v24 =	vld.idx.msk [tilespmem:v27+s11+$0x0], $0xffff;
	v27 =	vadd.s32 v14, v2  }
0xe6: {  	v20 =	vadd.s32 v12, v4;
	v2 =	vmov v6;
	v6 =	vmov v26;
	[tilespmem:s29+$0x100] =	vst v19;
	v19 =	vld.idx.msk [tilespmem:v28+s11+$0x0], $0xffff  }
0xe7: {  	v26 =	vadd.s32 v9, v5;
	v8 =	vmov v25;
	v18 =	vld.idx.msk [tilespmem:v18+s11+$0x0], $0xffff;
	[tilespmem:s25+$0x300] =	vst v21  }
0xe8: {  	v21 =	vadd.s32 v13, v1;
	v25 =	vld.idx.msk [tilespmem:v29+s11+$0x0], $0xffff  }
0xe9: {  	[tilespmem:s1+$0x100] =	vst v23;
	v22 =	vld.idx.msk [tilespmem:v22+s11+$0x0], $0xffff  }
0xea: {  	v23 =	vadd.s32 v9, v8;
	[tilespmem:s28+$0x180] =	vst v17;
	v17 =	vld.idx.msk [tilespmem:v30+s11+$0x0], $0xffff  }
0xeb: {  	v28 =	vadd.s32 v13, v3;
	v20 =	vld.idx.msk [tilespmem:v20+s11+$0x0], $0xffff;
	[tilespmem:s24+$0x300] =	vst v24  }
0xec: {  	v24 =	vadd.s32 v13, v2;
	[tilespmem:s26+$0x380] =	vst v19;
	v19 =	vld.idx.msk [tilespmem:v27+s11+$0x0], $0xffff;
	s26 =	smov.u32 s1  }
0xed: {  	v21 =	vld.idx.msk [tilespmem:v21+s11+$0x0], $0xffff;
	[tilespmem:s29+$0x180] =	vst v18  }
0xee: {  	v18 =	vadd.s32 v9, v7;
	v26 =	vld.idx.msk [tilespmem:v26+s11+$0x0], $0xffff;
	[tilespmem:s25+$0x380] =	vst v25;
	s25 =	smov.u32 s29  }
0xef: {  	v25 =	vadd.s32 v13, v4;
	v23 =	vld.idx.msk [tilespmem:v23+s11+$0x0], $0xffff;
	[tilespmem:s30+$0x180] =	vst v22  }
0xf0: {  	v22 =	vadd.s32 v10, v5;
	v28 =	vld.idx.msk [tilespmem:v28+s11+$0x0], $0xffff;
	[tilespmem:s23+$0x380] =	vst v17;
	s23 =	smov.u32 s28  }
0xf1: {  	v17 =	vadd.s32 v15, v1;
	[tilespmem:s26+$0x180] =	vst v20;
	v20 =	vld.idx.msk [tilespmem:v24+s11+$0x0], $0xffff  }
0xf2: {  	v29 =	vadd.s32 v10, v8;
	v30 =	vld.idx.msk [tilespmem:v31+s11+$0x0], $0xffff;
	[tilespmem:s24+$0x380] =	vst v19;
	s24 =	smov.u32 s30  }
0xf3: {  	s28 =	sor.u32 s8, s5;
	v31 =	vadd.s32 v15, v2;
	v18 =	vld.idx.msk [tilespmem:v18+s11+$0x0], $0xffff;
	[tilespmem:s23+$0x200] =	vst v21  }
0xf4: {  	v32 =	vadd.s32 v10, v6;
	s29 =	sor.u32 s6, s5;
	[tilespmem:s28+$0x0] =	vst v26;
	v24 =	vld.idx.msk [tilespmem:v25+s11+$0x0], $0xffff  }
.Ltmp1:
0xf5: {  	v27 =	vadd.s32 v10, v7;
	v19 =	vld.idx.msk [tilespmem:v22+s11+$0x0], $0xffff;
	[tilespmem:s29+$0x0] =	vst v23;
	(pc) =	sbr.rel @p0 .LBB2_5-.Ltmp1, $4  }
0xf6: {  	v23 =	vadd.s32 v15, v4;
	v17 =	vld.idx.msk [tilespmem:v17+s11+$0x0], $0xffff;
	[tilespmem:s25+$0x200] =	vst v28  }
0xf7: {  	s30 =	sor.u32 s14, s5;
	v21 =	vadd.s32 v15, v3;
	v22 =	vld.idx.msk [tilespmem:v29+s11+$0x0], $0xffff;
	[tilespmem:s24+$0x200] =	vst v20  }
0xf8: {  	s1 =	sor.u32 s13, s5;
	v26 =	vadd.s32 v11, v5;
	[tilespmem:s30+$0x0] =	vst v30;
	v20 =	vld.idx.msk [tilespmem:v31+s11+$0x0], $0xffff  }
0xf9: {  	s9 =	sadd.s32 $0x200, s9;
	s10 =	sadd.s32 $0x40, s10;
	[tilespmem:s1+$0x0] =	vst v18;
	v25 =	vld.idx.msk [tilespmem:v32+s11+$0x0], $0xffff;
	v18 =	vadd.s32 v16, v1  }
0xfa: {  	_ =	sdelay $0x2  }
0xfb: {  	v10 =	vadd.s32 v11, v8  }
0xfc: {  	v0 =	vld.idx.msk [tilespmem:v27+s11+$0x0], $0xffff;
	[tilespmem:s26+$0x200] =	vst v24;
	v24 =	vadd.s32 v11, v6  }
0xfd: {  	v9 =	vadd.s32 v11, v7  }
0xfe: {  	[tilespmem:s28+$0x80] =	vst v19  }
0xff: {  	v19 =	vld.idx.msk [tilespmem:v26+s11+$0x0], $0xffff;
	[tilespmem:s29+$0x80] =	vst v22  }
0x100: {  	v30 =	vadd.s32 v12, v5;
	[tilespmem:s30+$0x80] =	vst v25;
	v27 =	vld.idx.msk [tilespmem:v10+s11+$0x0], $0xffff  }
0x101: {  	v29 =	vadd.s32 v12, v8;
	[tilespmem:s1+$0x80] =	vst v0;
	v11 =	vld.idx.msk [tilespmem:v24+s11+$0x0], $0xffff  }
0x102: {  	v31 =	vadd.s32 v12, v6;
	[tilespmem:s23+$0x280] =	vst v17;
	v0 =	vld.idx.msk [tilespmem:v9+s11+$0x0], $0xffff  }
0x103: {  	v28 =	vadd.s32 v12, v7;
	v32 =	vld.idx.msk [tilespmem:v21+s11+$0x0], $0xffff;
	[tilespmem:s24+$0x280] =	vst v20  }
0x104: {  	v23 =	vld.idx.msk [tilespmem:v23+s11+$0x0], $0xffff;
	[tilespmem:s28+$0x100] =	vst v19  }
0x105: {  	v33 =	vadd.s32 v16, v4;
	v17 =	vld.idx.msk [tilespmem:v30+s11+$0x0], $0xffff;
	[tilespmem:s29+$0x100] =	vst v27  }
0x106: {  	v38 =	vadd.s32 v13, v5;
	[tilespmem:s30+$0x100] =	vst v11;
	v35 =	vld.idx.msk [tilespmem:v29+s11+$0x0], $0xffff  }
0x107: {  	v37 =	vadd.s32 v13, v8;
	[tilespmem:s1+$0x100] =	vst v0;
	v12 =	vld.idx.msk [tilespmem:v31+s11+$0x0], $0xffff  }
0x108: {  	v39 =	vadd.s32 v13, v6;
	[tilespmem:s25+$0x280] =	vst v32;
	v34 =	vld.idx.msk [tilespmem:v28+s11+$0x0], $0xffff  }
0x109: {  	v36 =	vadd.s32 v13, v7;
	v18 =	vld.idx.msk [tilespmem:v18+s11+$0x0], $0xffff;
	[tilespmem:s26+$0x280] =	vst v23  }
0x10a: {  	v40 =	vadd.s32 v16, v3;
	v0 =	vld.idx.msk [tilespmem:v33+s11+$0x0], $0xffff;
	[tilespmem:s28+$0x180] =	vst v17  }
0x10b: {  	v41 =	vadd.s32 v16, v2;
	v44 =	vld.idx.msk [tilespmem:v38+s11+$0x0], $0xffff;
	[tilespmem:s29+$0x180] =	vst v35  }
0x10c: {  	v46 =	vadd.s32 v15, v5;
	[tilespmem:s30+$0x180] =	vst v12;
	v11 =	vld.idx.msk [tilespmem:v37+s11+$0x0], $0xffff  }
0x10d: {  	v45 =	vadd.s32 v15, v8;
	[tilespmem:s1+$0x180] =	vst v34;
	v13 =	vld.idx.msk [tilespmem:v39+s11+$0x0], $0xffff  }
0x10e: {  	v47 =	vadd.s32 v15, v6;
	[tilespmem:s23+$0x300] =	vst v18;
	v42 =	vld.idx.msk [tilespmem:v36+s11+$0x0], $0xffff  }
0x10f: {  	v43 =	vadd.s32 v15, v7;
	v20 =	vld.idx.msk [tilespmem:v40+s11+$0x0], $0xffff;
	[tilespmem:s26+$0x300] =	vst v0  }
0x110: {  	v1 =	vadd.s32 v14, v1;
	v9 =	vld.idx.msk [tilespmem:v41+s11+$0x0], $0xffff;
	[tilespmem:s28+$0x200] =	vst v44  }
0x111: {  	v48 =	vadd.s32 v14, v4;
	v51 =	vld.idx.msk [tilespmem:v46+s11+$0x0], $0xffff;
	[tilespmem:s29+$0x200] =	vst v11  }
0x112: {  	v53 =	vadd.s32 v16, v5;
	[tilespmem:s30+$0x200] =	vst v13;
	v11 =	vld.idx.msk [tilespmem:v45+s11+$0x0], $0xffff  }
0x113: {  	v52 =	vadd.s32 v16, v8;
	[tilespmem:s1+$0x200] =	vst v42;
	v0 =	vld.idx.msk [tilespmem:v47+s11+$0x0], $0xffff  }
0x114: {  	v54 =	vadd.s32 v16, v6;
	[tilespmem:s25+$0x300] =	vst v20;
	v10 =	vld.idx.msk [tilespmem:v43+s11+$0x0], $0xffff  }
0x115: {  	v50 =	vadd.s32 v16, v7;
	v1 =	vld.idx.msk [tilespmem:v1+s11+$0x0], $0xffff;
	[tilespmem:s24+$0x300] =	vst v9  }
0x116: {  	v49 =	vadd.s32 v14, v3;
	v4 =	vld.idx.msk [tilespmem:v48+s11+$0x0], $0xffff;
	[tilespmem:s28+$0x280] =	vst v51  }
0x117: {  	v55 =	vadd.s32 v14, v2;
	v57 =	vld.idx.msk [tilespmem:v53+s11+$0x0], $0xffff;
	[tilespmem:s29+$0x280] =	vst v11  }
0x118: {  	v59 =	vadd.s32 v14, v5;
	[tilespmem:s30+$0x280] =	vst v0;
	v11 =	vld.idx.msk [tilespmem:v52+s11+$0x0], $0xffff  }
0x119: {  	v58 =	vadd.s32 v14, v8;
	[tilespmem:s1+$0x280] =	vst v10;
	v60 =	vld.idx.msk [tilespmem:v54+s11+$0x0], $0xffff  }
0x11a: {  	v61 =	vadd.s32 v14, v6;
	[tilespmem:s23+$0x380] =	vst v1;
	v10 =	vld.idx.msk [tilespmem:v50+s11+$0x0], $0xffff  }
0x11b: {  	v56 =	vadd.s32 v14, v7;
	v3 =	vld.idx.msk [tilespmem:v49+s11+$0x0], $0xffff;
	[tilespmem:s26+$0x380] =	vst v4  }
0x11c: {  	v2 =	vld.idx.msk [tilespmem:v55+s11+$0x0], $0xffff;
	[tilespmem:s28+$0x300] =	vst v57  }
0x11d: {  	v4 =	vld.idx.msk [tilespmem:v59+s11+$0x0], $0xffff;
	[tilespmem:s29+$0x300] =	vst v11  }
0x11e: {  	[tilespmem:s30+$0x300] =	vst v60;
	v0 =	vld.idx.msk [tilespmem:v58+s11+$0x0], $0xffff  }
0x11f: {  	[tilespmem:s1+$0x300] =	vst v10;
	v63 =	vld.idx.msk [tilespmem:v61+s11+$0x0], $0xffff  }
0x120: {  	s19 =	sadd.s32 $0x1, s19;
	[tilespmem:s25+$0x380] =	vst v3;
	v62 =	vld.idx.msk [tilespmem:v56+s11+$0x0], $0xffff  }
0x121: {  	s0 =	sshll.u32 s21, $0xF;
	p0 =	sne.s32 s19, $0x40;
	[tilespmem:s24+$0x380] =	vst v2  }
.Ltmp2:
0x122: {  	s0 =	sor.u32 s22, s0;
	[tilespmem:s28+$0x380] =	vst v4;
	(pc) =	sbr.rel @p0 .LBB2_2-.Ltmp2, $4  }
0x123: {  	s0 =	sadd.s32 s7, s0;
	[tilespmem:s29+$0x380] =	vst v0  }
0x124: {  	s0 =	sshrl.u32 s0, $0x3;
	[tilespmem:s30+$0x380] =	vst v63  }
0x125: {  	s0 =	sadd.s32 s2, s0;
	[tilespmem:s1+$0x380] =	vst v62  }
0x126: {  	[hbm4b:s0+s3] =	stream.linear.scatter [tilespmem:s16], [sflag:$0x2], $0x4000, $0x38;
	[tilespmem:$0x1C000] =	vst v63  }
0x127: {  	s0 =	simm.s32 $0x1  }
0x128: {  	_ =	swait.ge [sflag:s0], $0x4000  }
0x129: {  	[sflag:s0] =	ssyncset.done $0x0  }
0x12a: {  	s1 =	simm.s32 $0x2;
	[sflag:s0] =	ssyncadd.s32 $0xFFFFC000  }
0x12b: {  	_ =	swait.ge [sflag:s1], $0x4000  }
0x12c: {  	s4 =	rddreg [dreg:$0x7]  }
0x12d: {  	s31 =	rddreg [dreg:$0x6];
	s4 =	sadd.s32 $0x1, s4  }
0x12e: {  	p0 =	sne.s32 s4, s31  }
.Ltmp3:
0x12f: {  	_ = 	snop;
	(pc) =	sbr.rel @p0 .LBB2_1-.Ltmp3, $3  }
0x130: {  	_ =	sdelay $0x1  }
0x131: {  	[sflag:s1] =	ssyncset.done $0x0  }
0x132: {  	[sflag:s1] =	ssyncadd.s32 $0xFFFFC000  }
0x133: {  	_ =	sfence.sel $0x180000  }
0x134: {  	[bflag:$0x0] =	sbarrier.arrive $0xFFFF  }
0x135: {  	_ =	strace $0x90000047  }
0x136: {  	s0 =	stileid.u32;
	[bflag:$0x2] =	sbarrier.arrive $0xFFFF  }
0x137: {  	p0 =	sne.s32 s0, $0x0;
	s0 =	rddreg [dreg:$0x3]  }
0x138: {  	s0 =	sadd.s32 @!p0 $0x100000, s0  }
0x139: {  	[sflag:s0] =	ssyncadd.tile.s32 @!p0 $0x1;
	_ =	shalt  }
.Lfunc_end2:
_tile_overlayer_lowered:
.L_overlay_start_2:
0x13a: {  	(tag) =	ssettag $0x2  }
0x13b: {  	s0 =	rddreg [dreg:$0x0];
	s2 =	stileid.u32  }
0x13c: {  	s1 =	rddreg [dreg:$0x1];
	p0 =	sne.s32 s2, $0x0  }
0x13d: {  	s3 =	rddreg [dreg:$0x2];
	[bflag:$0x3] =	sbarrier.arrive $0xFFFF;
	s2 =	simm.s32 @!p0 $0x1C03  }
0x13e: {  	[timem:s3], [sflag:s2] =	dma.local @!p0 [hbm:s0], s1  }
0x13f: {  	s0 =	simm.s32 @!p0 $0x3  }
0x140: {  	_ =	swait.ge @!p0 [sflag:s0], s1  }
0x141: {  	s1 =	ssub.s32 @!p0 $0x0, s1;
	[sflag:s0] =	ssyncset.done @!p0 $0x0  }
0x142: {  	[sflag:s0] =	ssyncadd.s32 @!p0 s1  }
0x143: {  	[bflag:$0x3] =	sbarrier.arrive $0xFFFF  }
0x144: {  	_ =	shalt  }

</sc_bundles>
